<compile_context>
chip_gen: v7x
topology: tpu7x:2x2x1
jax: 0.10.2.dev20260603
libtpu: 0.0.44.dev20260713+nightly
codegen_flags: <defaults>
</compile_context>

<pallas_src>
import functools

import jax
import jax.numpy as jnp
from jax import lax
from jax.experimental import pallas as pl
from jax.experimental.pallas import tpu as pltpu
from jax.experimental.pallas import tpu_sc as plsc

NC = 2
NS = 16
NW = NC * NS
CHUNK = 128
NBUF = 2


def _seg_sum_call(n, d, k0, k1):
    rows_per_sub = (n // NS) // 8 * 8
    tail = n - rows_per_sub * NS
    n_pad = n + 8
    mesh = plsc.VectorSubcoreMesh(
        core_axis_name="c", subcore_axis_name="s", num_cores=NC, num_subcores=NS
    )

    assert k0 % NBUF == 0 and k1 % NBUF == 0 and k0 >= NBUF and k1 >= NBUF
    k_max = max(k0, k1)

    @functools.partial(
        pl.kernel,
        out_type=jax.ShapeDtypeStruct((NC, n, d), jnp.float32),
        mesh=mesh,
        scratch_types=[
            pltpu.VMEM_SHARED((n_pad, d), jnp.float32),
            [pltpu.VMEM((1, CHUNK), jnp.int32) for _ in range(NBUF)],
            [pltpu.VMEM((1, CHUNK), jnp.int32) for _ in range(NBUF)],
            [pltpu.VMEM((CHUNK, d), jnp.float32) for _ in range(NBUF)],
            [pltpu.SemaphoreType.DMA for _ in range(NBUF)],
            [pltpu.SemaphoreType.DMA for _ in range(NBUF)],
        ],
    )
    def seg(x_hbm, src_hbm, dst_hbm, out_hbm, acc, sidx, didx, rows, gsem,
            isem):
        c = lax.axis_index("c")
        s = lax.axis_index("s")
        nc = jnp.where(c == 0, k0, k1)
        r0 = s * rows_per_sub
        pltpu.sync_copy(
            x_hbm.at[pl.ds(r0, rows_per_sub)], acc.at[pl.ds(r0, rows_per_sub)]
        )
        if tail:
            @pl.when(s == NS - 1)
            def _():
                t0 = rows_per_sub * NS
                pltpu.sync_copy(
                    x_hbm.at[pl.ds(t0, tail)], acc.at[pl.ds(t0, tail)]
                )
        plsc.subcore_barrier()
        base = jnp.where(c == 0, s * k0, NS * k0 + s * k1)

        def load_idx(k, b):
            pltpu.async_copy(src_hbm.at[k], sidx[b], isem[b])
            pltpu.async_copy(dst_hbm.at[k], didx[b], isem[b])

        def wait_idx(b):
            pltpu.make_async_copy(dst_hbm.at[0], didx[b], isem[b]).wait()
            pltpu.make_async_copy(src_hbm.at[0], sidx[b], isem[b]).wait()

        def gather(b):
            pltpu.async_copy(x_hbm.at[sidx[b].at[0]], rows[b], gsem[b])

        for j in range(NBUF):
            load_idx(base + j, j)
        for j in range(NBUF - 1):
            wait_idx(j)
            gather(j)

        def step(k, b):
            @pl.when(k + NBUF - 1 < nc)
            def _():
                wait_idx((b + NBUF - 1) % NBUF)
                gather((b + NBUF - 1) % NBUF)

            @pl.when(k < nc)
            def _():
                pltpu.make_async_copy(
                    x_hbm.at[sidx[b].at[0]], rows[b], gsem[b]).wait()
                pltpu.sync_copy(rows[b], acc.at[didx[b].at[0]], add=True)

            @pl.when(k + NBUF < nc)
            def _():
                load_idx(base + k + NBUF, b)

        def body(j, carry):
            for t in range(NBUF):
                step(j * NBUF + t, t)
            return carry

        lax.fori_loop(0, k_max // NBUF, body, 0)
        plsc.subcore_barrier()
        pltpu.sync_copy(
            acc.at[pl.ds(r0, rows_per_sub)],
            out_hbm.at[c].at[pl.ds(r0, rows_per_sub)],
        )
        if tail:
            @pl.when(s == NS - 1)
            def _():
                t0 = rows_per_sub * NS
                pltpu.sync_copy(
                    acc.at[pl.ds(t0, tail)], out_hbm.at[c].at[pl.ds(t0, tail)]
                )

    return seg


def _mlp_body(part, xref, w1, b1, g1, be1, w2, b2, g2, be2, out, *, last_relu):
    h = part[0] + part[1] - xref[...]
    h = lax.dot_general(
        h, w1[...], (((1,), (1,)), ((), ())),
        preferred_element_type=jnp.float32,
    ) + b1[...]
    m = jnp.mean(h, axis=0, keepdims=True)
    v = jnp.mean((h - m) * (h - m), axis=0, keepdims=True)
    h = g1[...] * (h - m) / jnp.sqrt(v + 1e-5) + be1[...]
    h = jnp.maximum(h, 0.0)
    h = lax.dot_general(
        h, w2[...], (((1,), (1,)), ((), ())),
        preferred_element_type=jnp.float32,
    ) + b2[...]
    m = jnp.mean(h, axis=0, keepdims=True)
    v = jnp.mean((h - m) * (h - m), axis=0, keepdims=True)
    h = g2[...] * (h - m) / jnp.sqrt(v + 1e-5) + be2[...]
    if last_relu:
        h = jnp.maximum(h, 0.0)
    out[...] = h


def _mlp_call(n, d_out, last_relu):
    return pl.pallas_call(
        functools.partial(_mlp_body, last_relu=last_relu),
        out_shape=jax.ShapeDtypeStruct((n, d_out), jnp.float32),
    )


def kernel(x, edge_index, W1a, b1a, g1a, be1a, W1b, b1b, g1b, be1b,
           W2a, b2a, g2a, be2a, W2b, b2b, g2b, be2b):
    n, d = x.shape
    e = edge_index.shape[1]
    h_dim = W1a.shape[0]
    c_dim = W2b.shape[0]

    k0, k1 = 138, 20
    assert NS * (k0 + k1) * CHUNK >= e
    e_pad = NS * (k0 + k1) * CHUNK
    src = edge_index[0]
    dst = edge_index[1]
    if e_pad != e:
        pad = e_pad - e
        src = jnp.concatenate([src, jnp.zeros((pad,), jnp.int32)])
        dst = jnp.concatenate([dst, jnp.full((pad,), n, jnp.int32)])
    src = src.reshape(-1, 1, CHUNK)
    dst = dst.reshape(-1, 1, CHUNK)

    seg = _seg_sum_call(n, d, k0, k1)
    r = lambda a: a.reshape(1, -1)

    part1 = seg(x, src, dst)
    h = _mlp_call(n, h_dim, True)(
        part1, x, W1a, r(b1a), r(g1a), r(be1a), W1b, r(b1b), r(g1b), r(be1b)
    )
    part2 = seg(h, src, dst)
    out = _mlp_call(n, c_dim, False)(
        part2, h, W2a, r(b2a), r(g2a), r(be2a), W2b, r(b2b), r(g2b), r(be2b)
    )
    return out

# --- scband reference (transcript-rebuilt; emitter-appended) ---
"""Pipeline reference for scband-gin-86045374808622 (READ-ONLY COPY).

The authoritative reference and input builder live on the scoring server;
editing this copy changes nothing except your own understanding.
"""

import jax, jax.numpy as jnp
import numpy as np


def _bn(x, gamma, beta):
    mean = jnp.mean(x, axis=0, keepdims=True)
    var = jnp.var(x, axis=0, keepdims=True)
    return gamma * (x - mean) / jnp.sqrt(var + 1e-5) + beta


def _mlp(x, W1, b1, g1, be1, W2, b2, g2, be2):
    h = x @ W1.T + b1
    h = jax.nn.relu(_bn(h, g1, be1))
    h = h @ W2.T + b2
    return _bn(h, g2, be2)


def _gin_layer(x, edge_index, params):
    # DGL GINConv, aggregator_type='sum', eps=0 (not learned):
    # h_v = MLP((1+eps)*x_v + sum_{u->v} x_u)
    src = edge_index[0]
    dst = edge_index[1]
    agg = jax.ops.segment_sum(jnp.take(x, src, axis=0), dst, num_segments=x.shape[0])
    return _mlp(x + agg, *params)


def _lin_params(k, out_d, in_d):
    s = 1.0 / np.sqrt(in_d)
    kw, kb = jax.random.split(k)
    W = jax.random.uniform(kw, (out_d, in_d), minval=-s, maxval=s, dtype=jnp.float32)
    b = jax.random.uniform(kb, (out_d,), minval=-s, maxval=s, dtype=jnp.float32)
    return W, b


def setup_inputs(seed: int = 0):
    key = jax.random.key(seed)
    ks = jax.random.split(key, 8)
    N, E, D, H, C = 10000, 320000, 128, 128, 64
    x = jax.random.normal(ks[0], (N, D), dtype=jnp.float32)
    edge_index = jax.random.randint(ks[1], (2, E), 0, N, dtype=jnp.int32)
    # Layer 1 MLP: D -> H -> H
    W1a, b1a = _lin_params(ks[2], H, D)
    W1b, b1b = _lin_params(ks[3], H, H)
    g1a = jnp.ones((H,), jnp.float32); be1a = jnp.zeros((H,), jnp.float32)
    g1b = jnp.ones((H,), jnp.float32); be1b = jnp.zeros((H,), jnp.float32)
    # Layer 2 MLP: H -> H -> C
    W2a, b2a = _lin_params(ks[4], H, H)
    W2b, b2b = _lin_params(ks[5], C, H)
    g2a = jnp.ones((H,), jnp.float32); be2a = jnp.zeros((H,), jnp.float32)
    g2b = jnp.ones((C,), jnp.float32); be2b = jnp.zeros((C,), jnp.float32)
    return {"x": x, "edge_index": edge_index,
            "W1a": W1a, "b1a": b1a, "g1a": g1a, "be1a": be1a,
            "W1b": W1b, "b1b": b1b, "g1b": g1b, "be1b": be1b,
            "W2a": W2a, "b2a": b2a, "g2a": g2a, "be2a": be2a,
            "W2b": W2b, "b2b": b2b, "g2b": g2b, "be2b": be2b}


def reference(x, edge_index, W1a, b1a, g1a, be1a, W1b, b1b, g1b, be1b,
              W2a, b2a, g2a, be2a, W2b, b2b, g2b, be2b):
    p1 = (W1a, b1a, g1a, be1a, W1b, b1b, g1b, be1b)
    p2 = (W2a, b2a, g2a, be2a, W2b, b2b, g2b, be2b)
    h = _gin_layer(x, edge_index, p1)
    h = jax.nn.relu(h)  # relu between GIN layers (not after last)
    h = _gin_layer(h, edge_index, p2)
    return h

if __name__ == "__main__":
    import jax
    _d = setup_inputs()
    print(jax.jit(kernel)(*tuple(_d.values())))

</pallas_src>

<mosaic_0001>
#map = affine_map<(d0, d1) -> (0, 0)>
#map1 = affine_map<(d0, d1) -> (0, 0, 0)>
module attributes {stable_mosaic.version = 14 : i64} {
  func.func @seg(%arg0: i32, %arg1: i32, %arg2: memref<10000x128xf32, #tpu.memory_space<hbm>>, %arg3: memref<2528x1x128xi32, #tpu.memory_space<hbm>>, %arg4: memref<2528x1x128xi32, #tpu.memory_space<hbm>>, %arg5: memref<2x10000x128xf32, #tpu.memory_space<hbm>>, %arg6: memref<10008x128xf32, #tpu.memory_space<vmem_shared>>, %arg7: memref<1x128xi32, #tpu.memory_space<vmem>>, %arg8: memref<1x128xi32, #tpu.memory_space<vmem>>, %arg9: memref<1x128xi32, #tpu.memory_space<vmem>>, %arg10: memref<1x128xi32, #tpu.memory_space<vmem>>, %arg11: memref<128x128xf32, #tpu.memory_space<vmem>>, %arg12: memref<128x128xf32, #tpu.memory_space<vmem>>, %arg13: memref<!tpu.dma_semaphore, #tpu.memory_space<semaphore_mem>>, %arg14: memref<!tpu.dma_semaphore, #tpu.memory_space<semaphore_mem>>, %arg15: memref<!tpu.dma_semaphore, #tpu.memory_space<semaphore_mem>>, %arg16: memref<!tpu.dma_semaphore, #tpu.memory_space<semaphore_mem>>) attributes {dimension_semantics = [#tpu.dimension_semantics<core_parallel>, #tpu.dimension_semantics<subcore_parallel>], iteration_bounds = array<i64: 2, 16>, scalar_prefetch = 0 : i64, scratch_operands = 11 : i64, tpu.core_type = #tpu.core_type<sc_vector_subcore>, window_params = [{transform_indices = #map}, {transform_indices = #map1}, {transform_indices = #map1}, {transform_indices = #map1}]} {
    %eq3A = arith.constant 0 : i32
    %eq3A_0 = arith.cmpi eq, %arg0, %eq3A : i32
    %jit3A = arith.constant 138 : i32
    %jit3A_1 = arith.constant 20 : i32
    %select_n3A = arith.select %eq3A_0, %jit3A, %jit3A_1 : i32
    %mul3A = arith.constant 624 : i32
    %mul3A_2 = arith.muli %arg1, %mul3A : i32
    "tpu.region"() ({
      %run_scoped3A = tpu.sem_alloc : memref<!tpu.dma_semaphore, #tpu.memory_space<semaphore_mem>>
      %dma_start3A_84 = arith.constant 0 : i32
      %dma_start3A_85 = tpu.memref_slice %arg6[%mul3A_2, %dma_start3A_84] : memref<10008x128xf32, #tpu.memory_space<vmem_shared>> -> memref<624x128xf32, #tpu.memory_space<vmem_shared>>
      %dma_start3A_86 = arith.constant 0 : i32
      %dma_start3A_87 = tpu.memref_slice %arg2[%mul3A_2, %dma_start3A_86] : memref<10000x128xf32, #tpu.memory_space<hbm>> -> memref<624x128xf32, #tpu.memory_space<hbm>>
      tpu.enqueue_dma source(%dma_start3A_87 : memref<624x128xf32, #tpu.memory_space<hbm>>) target(%dma_start3A_85 : memref<624x128xf32, #tpu.memory_space<vmem_shared>>) target_semaphore(%run_scoped3A : memref<!tpu.dma_semaphore, #tpu.memory_space<semaphore_mem>>)
      %dma_wait3A_88 = arith.constant 0 : i32
      %dma_wait3A_89 = tpu.memref_slice %arg6[%mul3A_2, %dma_wait3A_88] : memref<10008x128xf32, #tpu.memory_space<vmem_shared>> -> memref<624x128xf32, #tpu.memory_space<vmem_shared>>
      %dma_wait3A_90 = arith.constant 0 : i32
      %dma_wait3A_91 = tpu.memref_slice %arg2[%mul3A_2, %dma_wait3A_90] : memref<10000x128xf32, #tpu.memory_space<hbm>> -> memref<624x128xf32, #tpu.memory_space<hbm>>
      tpu.wait_dma2 semaphore(%run_scoped3A : memref<!tpu.dma_semaphore, #tpu.memory_space<semaphore_mem>>) src(%dma_wait3A_91 : memref<624x128xf32, #tpu.memory_space<hbm>>) dst(%dma_wait3A_89 : memref<624x128xf32, #tpu.memory_space<vmem_shared>>)
      tpu.yield
    }) : () -> ()
    %eq3A_3 = arith.constant 15 : i32
    %eq3A_4 = arith.cmpi eq, %arg1, %eq3A_3 : i32
    %convert_element_type3A = arith.extui %eq3A_4 : i1 to i32
    %cond3A = arith.constant 0 : i32
    %cond3A_5 = arith.cmpi ne, %convert_element_type3A, %cond3A : i32
    scf.if %cond3A_5 {
      "tpu.region"() ({
        %run_scoped3A = tpu.sem_alloc : memref<!tpu.dma_semaphore, #tpu.memory_space<semaphore_mem>>
        %dma_start3A_84 = arith.constant 9984 : i32
        %dma_start3A_85 = arith.constant 0 : i32
        %dma_start3A_86 = tpu.memref_slice %arg6[%dma_start3A_84, %dma_start3A_85] : memref<10008x128xf32, #tpu.memory_space<vmem_shared>> -> memref<16x128xf32, #tpu.memory_space<vmem_shared>>
        %dma_start3A_87 = arith.constant 9984 : i32
        %dma_start3A_88 = arith.constant 0 : i32
        %dma_start3A_89 = tpu.memref_slice %arg2[%dma_start3A_87, %dma_start3A_88] : memref<10000x128xf32, #tpu.memory_space<hbm>> -> memref<16x128xf32, #tpu.memory_space<hbm>>
        tpu.enqueue_dma source(%dma_start3A_89 : memref<16x128xf32, #tpu.memory_space<hbm>>) target(%dma_start3A_86 : memref<16x128xf32, #tpu.memory_space<vmem_shared>>) target_semaphore(%run_scoped3A : memref<!tpu.dma_semaphore, #tpu.memory_space<semaphore_mem>>)
        %dma_wait3A_90 = arith.constant 9984 : i32
        %dma_wait3A_91 = arith.constant 0 : i32
        %dma_wait3A_92 = tpu.memref_slice %arg6[%dma_wait3A_90, %dma_wait3A_91] : memref<10008x128xf32, #tpu.memory_space<vmem_shared>> -> memref<16x128xf32, #tpu.memory_space<vmem_shared>>
        %dma_wait3A_93 = arith.constant 9984 : i32
        %dma_wait3A_94 = arith.constant 0 : i32
        %dma_wait3A_95 = tpu.memref_slice %arg2[%dma_wait3A_93, %dma_wait3A_94] : memref<10000x128xf32, #tpu.memory_space<hbm>> -> memref<16x128xf32, #tpu.memory_space<hbm>>
        tpu.wait_dma2 semaphore(%run_scoped3A : memref<!tpu.dma_semaphore, #tpu.memory_space<semaphore_mem>>) src(%dma_wait3A_95 : memref<16x128xf32, #tpu.memory_space<hbm>>) dst(%dma_wait3A_92 : memref<16x128xf32, #tpu.memory_space<vmem_shared>>)
        tpu.yield
      }) : () -> ()
    } else {
    }
    %barrier3A = arith.constant 0 : index
    tpu.barrier barrier_id(%barrier3A)
    %eq3A_6 = arith.constant 0 : i32
    %eq3A_7 = arith.cmpi eq, %arg0, %eq3A_6 : i32
    %mul3A_8 = arith.constant 138 : i32
    %mul3A_9 = arith.muli %arg1, %mul3A_8 : i32
    %mul3A_10 = arith.constant 20 : i32
    %mul3A_11 = arith.muli %arg1, %mul3A_10 : i32
    %add3A = arith.constant 2208 : i32
    %add3A_12 = arith.addi %add3A, %mul3A_11 : i32
    %select_n3A_13 = arith.select %eq3A_7, %mul3A_9, %add3A_12 : i32
    %add3A_14 = arith.constant 0 : i32
    %add3A_15 = arith.addi %select_n3A_13, %add3A_14 : i32
    %dma_start3A = arith.constant 0 : i32
    %dma_start3A_16 = arith.constant 0 : i32
    %dma_start3A_17 = tpu.memref_slice %arg3[%add3A_15, %dma_start3A, %dma_start3A_16] : memref<2528x1x128xi32, #tpu.memory_space<hbm>> -> memref<1x1x128xi32, #tpu.memory_space<hbm>>
    %dma_start3A_18 = tpu.memref_squeeze %dma_start3A_17 : memref<1x1x128xi32, #tpu.memory_space<hbm>> -> memref<1x128xi32, #tpu.memory_space<hbm>>
    %dma_start3A_19 = arith.constant 0 : i32
    %dma_start3A_20 = arith.constant 0 : i32
    %dma_start3A_21 = tpu.memref_slice %arg3[%add3A_15, %dma_start3A_19, %dma_start3A_20] : memref<2528x1x128xi32, #tpu.memory_space<hbm>> -> memref<1x1x128xi32, #tpu.memory_space<hbm>>
    %dma_start3A_22 = tpu.memref_squeeze %dma_start3A_21 : memref<1x1x128xi32, #tpu.memory_space<hbm>> -> memref<1x128xi32, #tpu.memory_space<hbm>>
    tpu.enqueue_dma source(%dma_start3A_22 : memref<1x128xi32, #tpu.memory_space<hbm>>) target(%arg7 : memref<1x128xi32, #tpu.memory_space<vmem>>) target_semaphore(%arg15 : memref<!tpu.dma_semaphore, #tpu.memory_space<semaphore_mem>>)
    %dma_start3A_23 = arith.constant 0 : i32
    %dma_start3A_24 = arith.constant 0 : i32
    %dma_start3A_25 = tpu.memref_slice %arg4[%add3A_15, %dma_start3A_23, %dma_start3A_24] : memref<2528x1x128xi32, #tpu.memory_space<hbm>> -> memref<1x1x128xi32, #tpu.memory_space<hbm>>
    %dma_start3A_26 = tpu.memref_squeeze %dma_start3A_25 : memref<1x1x128xi32, #tpu.memory_space<hbm>> -> memref<1x128xi32, #tpu.memory_space<hbm>>
    %dma_start3A_27 = arith.constant 0 : i32
    %dma_start3A_28 = arith.constant 0 : i32
    %dma_start3A_29 = tpu.memref_slice %arg4[%add3A_15, %dma_start3A_27, %dma_start3A_28] : memref<2528x1x128xi32, #tpu.memory_space<hbm>> -> memref<1x1x128xi32, #tpu.memory_space<hbm>>
    %dma_start3A_30 = tpu.memref_squeeze %dma_start3A_29 : memref<1x1x128xi32, #tpu.memory_space<hbm>> -> memref<1x128xi32, #tpu.memory_space<hbm>>
    tpu.enqueue_dma source(%dma_start3A_30 : memref<1x128xi32, #tpu.memory_space<hbm>>) target(%arg9 : memref<1x128xi32, #tpu.memory_space<vmem>>) target_semaphore(%arg15 : memref<!tpu.dma_semaphore, #tpu.memory_space<semaphore_mem>>)
    %add3A_31 = arith.constant 1 : i32
    %add3A_32 = arith.addi %select_n3A_13, %add3A_31 : i32
    %dma_start3A_33 = arith.constant 0 : i32
    %dma_start3A_34 = arith.constant 0 : i32
    %dma_start3A_35 = tpu.memref_slice %arg3[%add3A_32, %dma_start3A_33, %dma_start3A_34] : memref<2528x1x128xi32, #tpu.memory_space<hbm>> -> memref<1x1x128xi32, #tpu.memory_space<hbm>>
    %dma_start3A_36 = tpu.memref_squeeze %dma_start3A_35 : memref<1x1x128xi32, #tpu.memory_space<hbm>> -> memref<1x128xi32, #tpu.memory_space<hbm>>
    %dma_start3A_37 = arith.constant 0 : i32
    %dma_start3A_38 = arith.constant 0 : i32
    %dma_start3A_39 = tpu.memref_slice %arg3[%add3A_32, %dma_start3A_37, %dma_start3A_38] : memref<2528x1x128xi32, #tpu.memory_space<hbm>> -> memref<1x1x128xi32, #tpu.memory_space<hbm>>
    %dma_start3A_40 = tpu.memref_squeeze %dma_start3A_39 : memref<1x1x128xi32, #tpu.memory_space<hbm>> -> memref<1x128xi32, #tpu.memory_space<hbm>>
    tpu.enqueue_dma source(%dma_start3A_40 : memref<1x128xi32, #tpu.memory_space<hbm>>) target(%arg8 : memref<1x128xi32, #tpu.memory_space<vmem>>) target_semaphore(%arg16 : memref<!tpu.dma_semaphore, #tpu.memory_space<semaphore_mem>>)
    %dma_start3A_41 = arith.constant 0 : i32
    %dma_start3A_42 = arith.constant 0 : i32
    %dma_start3A_43 = tpu.memref_slice %arg4[%add3A_32, %dma_start3A_41, %dma_start3A_42] : memref<2528x1x128xi32, #tpu.memory_space<hbm>> -> memref<1x1x128xi32, #tpu.memory_space<hbm>>
    %dma_start3A_44 = tpu.memref_squeeze %dma_start3A_43 : memref<1x1x128xi32, #tpu.memory_space<hbm>> -> memref<1x128xi32, #tpu.memory_space<hbm>>
    %dma_start3A_45 = arith.constant 0 : i32
    %dma_start3A_46 = arith.constant 0 : i32
    %dma_start3A_47 = tpu.memref_slice %arg4[%add3A_32, %dma_start3A_45, %dma_start3A_46] : memref<2528x1x128xi32, #tpu.memory_space<hbm>> -> memref<1x1x128xi32, #tpu.memory_space<hbm>>
    %dma_start3A_48 = tpu.memref_squeeze %dma_start3A_47 : memref<1x1x128xi32, #tpu.memory_space<hbm>> -> memref<1x128xi32, #tpu.memory_space<hbm>>
    tpu.enqueue_dma source(%dma_start3A_48 : memref<1x128xi32, #tpu.memory_space<hbm>>) target(%arg10 : memref<1x128xi32, #tpu.memory_space<vmem>>) target_semaphore(%arg16 : memref<!tpu.dma_semaphore, #tpu.memory_space<semaphore_mem>>)
    %dma_wait3A = arith.constant 0 : i32
    %dma_wait3A_49 = arith.constant 0 : i32
    %dma_wait3A_50 = arith.constant 0 : i32
    %dma_wait3A_51 = tpu.memref_slice %arg4[%dma_wait3A, %dma_wait3A_49, %dma_wait3A_50] : memref<2528x1x128xi32, #tpu.memory_space<hbm>> -> memref<1x1x128xi32, #tpu.memory_space<hbm>>
    %dma_wait3A_52 = tpu.memref_squeeze %dma_wait3A_51 : memref<1x1x128xi32, #tpu.memory_space<hbm>> -> memref<1x128xi32, #tpu.memory_space<hbm>>
    %dma_wait3A_53 = arith.constant 0 : i32
    %dma_wait3A_54 = arith.constant 0 : i32
    %dma_wait3A_55 = tpu.memref_slice %arg4[%dma_wait3A, %dma_wait3A_53, %dma_wait3A_54] : memref<2528x1x128xi32, #tpu.memory_space<hbm>> -> memref<1x1x128xi32, #tpu.memory_space<hbm>>
    %dma_wait3A_56 = tpu.memref_squeeze %dma_wait3A_55 : memref<1x1x128xi32, #tpu.memory_space<hbm>> -> memref<1x128xi32, #tpu.memory_space<hbm>>
    tpu.wait_dma2 semaphore(%arg15 : memref<!tpu.dma_semaphore, #tpu.memory_space<semaphore_mem>>) src(%dma_wait3A_56 : memref<1x128xi32, #tpu.memory_space<hbm>>) dst(%arg9 : memref<1x128xi32, #tpu.memory_space<vmem>>)
    %dma_wait3A_57 = arith.constant 0 : i32
    %dma_wait3A_58 = arith.constant 0 : i32
    %dma_wait3A_59 = arith.constant 0 : i32
    %dma_wait3A_60 = tpu.memref_slice %arg3[%dma_wait3A_57, %dma_wait3A_58, %dma_wait3A_59] : memref<2528x1x128xi32, #tpu.memory_space<hbm>> -> memref<1x1x128xi32, #tpu.memory_space<hbm>>
    %dma_wait3A_61 = tpu.memref_squeeze %dma_wait3A_60 : memref<1x1x128xi32, #tpu.memory_space<hbm>> -> memref<1x128xi32, #tpu.memory_space<hbm>>
    %dma_wait3A_62 = arith.constant 0 : i32
    %dma_wait3A_63 = arith.constant 0 : i32
    %dma_wait3A_64 = tpu.memref_slice %arg3[%dma_wait3A_57, %dma_wait3A_62, %dma_wait3A_63] : memref<2528x1x128xi32, #tpu.memory_space<hbm>> -> memref<1x1x128xi32, #tpu.memory_space<hbm>>
    %dma_wait3A_65 = tpu.memref_squeeze %dma_wait3A_64 : memref<1x1x128xi32, #tpu.memory_space<hbm>> -> memref<1x128xi32, #tpu.memory_space<hbm>>
    tpu.wait_dma2 semaphore(%arg15 : memref<!tpu.dma_semaphore, #tpu.memory_space<semaphore_mem>>) src(%dma_wait3A_65 : memref<1x128xi32, #tpu.memory_space<hbm>>) dst(%arg7 : memref<1x128xi32, #tpu.memory_space<vmem>>)
    %dma_start3A_66 = arith.constant 0 : i32
    %dma_start3A_67 = arith.constant 0 : i32
    %dma_start3A_68 = tpu.memref_slice %arg7[%dma_start3A_66, %dma_start3A_67] : memref<1x128xi32, #tpu.memory_space<vmem>> -> memref<1x128xi32, #tpu.memory_space<vmem>>
    %dma_start3A_69 = tpu.memref_squeeze %dma_start3A_68 : memref<1x128xi32, #tpu.memory_space<vmem>> -> memref<128xi32, #tpu.memory_space<vmem>>
    %dma_start3A_70 = arith.constant 0 : i32
    %dma_start3A_71 = arith.constant 0 : i32
    %dma_start3A_72 = tpu.memref_slice %arg2[%dma_start3A_70, %dma_start3A_71] : memref<10000x128xf32, #tpu.memory_space<hbm>> -> memref<10000x128xf32, #tpu.memory_space<hbm>>
    tpu.enqueue_indirect_dma source(%dma_start3A_72 : memref<10000x128xf32, #tpu.memory_space<hbm>>) target(%arg11 : memref<128x128xf32, #tpu.memory_space<vmem>>) offsets(%dma_start3A_69 : memref<128xi32, #tpu.memory_space<vmem>>) semaphore(%arg13 : memref<!tpu.dma_semaphore, #tpu.memory_space<semaphore_mem>>)
    %scan3A = arith.constant 0 : i32
    %scan3A_73 = arith.constant 0 : i32
    %scan3A_74 = arith.constant 69 : i32
    %scan3A_75 = arith.addi %scan3A_73, %scan3A_74 : i32
    %scan3A_76 = arith.constant 1 : i32
    scf.for %scan3A_84 = %scan3A_73 to %scan3A_75 step %scan3A_76  : i32 {
      %mul3A_85 = arith.constant 2 : i32
      %mul3A_86 = arith.muli %scan3A_84, %mul3A_85 : i32
      %add3A_87 = arith.constant 0 : i32
      %add3A_88 = arith.addi %mul3A_86, %add3A_87 : i32
      %add3A_89 = arith.constant 2 : i32
      %add3A_90 = arith.addi %add3A_88, %add3A_89 : i32
      %sub3A = arith.constant 1 : i32
      %sub3A_91 = arith.subi %add3A_90, %sub3A : i32
      %lt3A = arith.cmpi slt, %sub3A_91, %select_n3A : i32
      %convert_element_type3A_92 = arith.extui %lt3A : i1 to i32
      %cond3A_93 = arith.constant 0 : i32
      %cond3A_94 = arith.cmpi ne, %convert_element_type3A_92, %cond3A_93 : i32
      scf.if %cond3A_94 {
        %dma_wait3A_127 = arith.constant 0 : i32
        %dma_wait3A_128 = arith.constant 0 : i32
        %dma_wait3A_129 = arith.constant 0 : i32
        %dma_wait3A_130 = tpu.memref_slice %arg4[%dma_wait3A_127, %dma_wait3A_128, %dma_wait3A_129] : memref<2528x1x128xi32, #tpu.memory_space<hbm>> -> memref<1x1x128xi32, #tpu.memory_space<hbm>>
        %dma_wait3A_131 = tpu.memref_squeeze %dma_wait3A_130 : memref<1x1x128xi32, #tpu.memory_space<hbm>> -> memref<1x128xi32, #tpu.memory_space<hbm>>
        %dma_wait3A_132 = arith.constant 0 : i32
        %dma_wait3A_133 = arith.constant 0 : i32
        %dma_wait3A_134 = tpu.memref_slice %arg4[%dma_wait3A_127, %dma_wait3A_132, %dma_wait3A_133] : memref<2528x1x128xi32, #tpu.memory_space<hbm>> -> memref<1x1x128xi32, #tpu.memory_space<hbm>>
        %dma_wait3A_135 = tpu.memref_squeeze %dma_wait3A_134 : memref<1x1x128xi32, #tpu.memory_space<hbm>> -> memref<1x128xi32, #tpu.memory_space<hbm>>
        tpu.wait_dma2 semaphore(%arg16 : memref<!tpu.dma_semaphore, #tpu.memory_space<semaphore_mem>>) src(%dma_wait3A_135 : memref<1x128xi32, #tpu.memory_space<hbm>>) dst(%arg10 : memref<1x128xi32, #tpu.memory_space<vmem>>)
        %dma_wait3A_136 = arith.constant 0 : i32
        %dma_wait3A_137 = arith.constant 0 : i32
        %dma_wait3A_138 = arith.constant 0 : i32
        %dma_wait3A_139 = tpu.memref_slice %arg3[%dma_wait3A_136, %dma_wait3A_137, %dma_wait3A_138] : memref<2528x1x128xi32, #tpu.memory_space<hbm>> -> memref<1x1x128xi32, #tpu.memory_space<hbm>>
        %dma_wait3A_140 = tpu.memref_squeeze %dma_wait3A_139 : memref<1x1x128xi32, #tpu.memory_space<hbm>> -> memref<1x128xi32, #tpu.memory_space<hbm>>
        %dma_wait3A_141 = arith.constant 0 : i32
        %dma_wait3A_142 = arith.constant 0 : i32
        %dma_wait3A_143 = tpu.memref_slice %arg3[%dma_wait3A_136, %dma_wait3A_141, %dma_wait3A_142] : memref<2528x1x128xi32, #tpu.memory_space<hbm>> -> memref<1x1x128xi32, #tpu.memory_space<hbm>>
        %dma_wait3A_144 = tpu.memref_squeeze %dma_wait3A_143 : memref<1x1x128xi32, #tpu.memory_space<hbm>> -> memref<1x128xi32, #tpu.memory_space<hbm>>
        tpu.wait_dma2 semaphore(%arg16 : memref<!tpu.dma_semaphore, #tpu.memory_space<semaphore_mem>>) src(%dma_wait3A_144 : memref<1x128xi32, #tpu.memory_space<hbm>>) dst(%arg8 : memref<1x128xi32, #tpu.memory_space<vmem>>)
        %dma_start3A_145 = arith.constant 0 : i32
        %dma_start3A_146 = arith.constant 0 : i32
        %dma_start3A_147 = tpu.memref_slice %arg8[%dma_start3A_145, %dma_start3A_146] : memref<1x128xi32, #tpu.memory_space<vmem>> -> memref<1x128xi32, #tpu.memory_space<vmem>>
        %dma_start3A_148 = tpu.memref_squeeze %dma_start3A_147 : memref<1x128xi32, #tpu.memory_space<vmem>> -> memref<128xi32, #tpu.memory_space<vmem>>
        %dma_start3A_149 = arith.constant 0 : i32
        %dma_start3A_150 = arith.constant 0 : i32
        %dma_start3A_151 = tpu.memref_slice %arg2[%dma_start3A_149, %dma_start3A_150] : memref<10000x128xf32, #tpu.memory_space<hbm>> -> memref<10000x128xf32, #tpu.memory_space<hbm>>
        tpu.enqueue_indirect_dma source(%dma_start3A_151 : memref<10000x128xf32, #tpu.memory_space<hbm>>) target(%arg12 : memref<128x128xf32, #tpu.memory_space<vmem>>) offsets(%dma_start3A_148 : memref<128xi32, #tpu.memory_space<vmem>>) semaphore(%arg14 : memref<!tpu.dma_semaphore, #tpu.memory_space<semaphore_mem>>)
      } else {
      }
      %lt3A_95 = arith.cmpi slt, %add3A_88, %select_n3A : i32
      %convert_element_type3A_96 = arith.extui %lt3A_95 : i1 to i32
      %cond3A_97 = arith.constant 0 : i32
      %cond3A_98 = arith.cmpi ne, %convert_element_type3A_96, %cond3A_97 : i32
      scf.if %cond3A_98 {
        %dma_wait3A_127 = arith.constant 0 : i32
        %dma_wait3A_128 = arith.constant 0 : i32
        %dma_wait3A_129 = tpu.memref_slice %arg7[%dma_wait3A_127, %dma_wait3A_128] : memref<1x128xi32, #tpu.memory_space<vmem>> -> memref<1x128xi32, #tpu.memory_space<vmem>>
        %dma_wait3A_130 = tpu.memref_squeeze %dma_wait3A_129 : memref<1x128xi32, #tpu.memory_space<vmem>> -> memref<128xi32, #tpu.memory_space<vmem>>
        %dma_wait3A_131 = arith.constant 0 : i32
        %dma_wait3A_132 = arith.constant 0 : i32
        %dma_wait3A_133 = tpu.memref_slice %arg2[%dma_wait3A_131, %dma_wait3A_132] : memref<10000x128xf32, #tpu.memory_space<hbm>> -> memref<10000x128xf32, #tpu.memory_space<hbm>>
        tpu.wait_indirect_dma semaphore(%arg13 : memref<!tpu.dma_semaphore, #tpu.memory_space<semaphore_mem>>) src(%dma_wait3A_133 : memref<10000x128xf32, #tpu.memory_space<hbm>>) dst(%arg11 : memref<128x128xf32, #tpu.memory_space<vmem>>)
        %run_scoped3A = arith.constant 0 : i32
        "tpu.region"() ({
          %run_scoped3A_134 = tpu.sem_alloc : memref<!tpu.dma_semaphore, #tpu.memory_space<semaphore_mem>>
          %dma_start3A_135 = arith.constant 0 : i32
          %dma_start3A_136 = tpu.memref_slice %arg9[%run_scoped3A, %dma_start3A_135] : memref<1x128xi32, #tpu.memory_space<vmem>> -> memref<1x128xi32, #tpu.memory_space<vmem>>
          %dma_start3A_137 = tpu.memref_squeeze %dma_start3A_136 : memref<1x128xi32, #tpu.memory_space<vmem>> -> memref<128xi32, #tpu.memory_space<vmem>>
          %dma_start3A_138 = arith.constant 0 : i32
          %dma_start3A_139 = arith.constant 0 : i32
          %dma_start3A_140 = tpu.memref_slice %arg6[%dma_start3A_138, %dma_start3A_139] : memref<10008x128xf32, #tpu.memory_space<vmem_shared>> -> memref<10008x128xf32, #tpu.memory_space<vmem_shared>>
          tpu.enqueue_indirect_dma source(%arg11 : memref<128x128xf32, #tpu.memory_space<vmem>>) target(%dma_start3A_140 : memref<10008x128xf32, #tpu.memory_space<vmem_shared>>) offsets(%dma_start3A_137 : memref<128xi32, #tpu.memory_space<vmem>>) semaphore(%run_scoped3A_134 : memref<!tpu.dma_semaphore, #tpu.memory_space<semaphore_mem>>) {add = true}
          %dma_wait3A_141 = arith.constant 0 : i32
          %dma_wait3A_142 = tpu.memref_slice %arg9[%run_scoped3A, %dma_wait3A_141] : memref<1x128xi32, #tpu.memory_space<vmem>> -> memref<1x128xi32, #tpu.memory_space<vmem>>
          %dma_wait3A_143 = tpu.memref_squeeze %dma_wait3A_142 : memref<1x128xi32, #tpu.memory_space<vmem>> -> memref<128xi32, #tpu.memory_space<vmem>>
          %dma_wait3A_144 = arith.constant 0 : i32
          %dma_wait3A_145 = arith.constant 0 : i32
          %dma_wait3A_146 = tpu.memref_slice %arg6[%dma_wait3A_144, %dma_wait3A_145] : memref<10008x128xf32, #tpu.memory_space<vmem_shared>> -> memref<10008x128xf32, #tpu.memory_space<vmem_shared>>
          tpu.wait_indirect_dma semaphore(%run_scoped3A_134 : memref<!tpu.dma_semaphore, #tpu.memory_space<semaphore_mem>>) src(%arg11 : memref<128x128xf32, #tpu.memory_space<vmem>>) dst(%dma_wait3A_146 : memref<10008x128xf32, #tpu.memory_space<vmem_shared>>)
          tpu.yield
        }) : () -> ()
      } else {
      }
      %add3A_99 = arith.constant 2 : i32
      %add3A_100 = arith.addi %add3A_88, %add3A_99 : i32
      %lt3A_101 = arith.cmpi slt, %add3A_100, %select_n3A : i32
      %convert_element_type3A_102 = arith.extui %lt3A_101 : i1 to i32
      %cond3A_103 = arith.constant 0 : i32
      %cond3A_104 = arith.cmpi ne, %convert_element_type3A_102, %cond3A_103 : i32
      scf.if %cond3A_104 {
        %add3A_127 = arith.addi %select_n3A_13, %add3A_88 : i32
        %add3A_128 = arith.constant 2 : i32
        %add3A_129 = arith.addi %add3A_127, %add3A_128 : i32
        %dma_start3A_130 = arith.constant 0 : i32
        %dma_start3A_131 = arith.constant 0 : i32
        %dma_start3A_132 = tpu.memref_slice %arg3[%add3A_129, %dma_start3A_130, %dma_start3A_131] : memref<2528x1x128xi32, #tpu.memory_space<hbm>> -> memref<1x1x128xi32, #tpu.memory_space<hbm>>
        %dma_start3A_133 = tpu.memref_squeeze %dma_start3A_132 : memref<1x1x128xi32, #tpu.memory_space<hbm>> -> memref<1x128xi32, #tpu.memory_space<hbm>>
        %dma_start3A_134 = arith.constant 0 : i32
        %dma_start3A_135 = arith.constant 0 : i32
        %dma_start3A_136 = tpu.memref_slice %arg3[%add3A_129, %dma_start3A_134, %dma_start3A_135] : memref<2528x1x128xi32, #tpu.memory_space<hbm>> -> memref<1x1x128xi32, #tpu.memory_space<hbm>>
        %dma_start3A_137 = tpu.memref_squeeze %dma_start3A_136 : memref<1x1x128xi32, #tpu.memory_space<hbm>> -> memref<1x128xi32, #tpu.memory_space<hbm>>
        tpu.enqueue_dma source(%dma_start3A_137 : memref<1x128xi32, #tpu.memory_space<hbm>>) target(%arg7 : memref<1x128xi32, #tpu.memory_space<vmem>>) target_semaphore(%arg15 : memref<!tpu.dma_semaphore, #tpu.memory_space<semaphore_mem>>)
        %dma_start3A_138 = arith.constant 0 : i32
        %dma_start3A_139 = arith.constant 0 : i32
        %dma_start3A_140 = tpu.memref_slice %arg4[%add3A_129, %dma_start3A_138, %dma_start3A_139] : memref<2528x1x128xi32, #tpu.memory_space<hbm>> -> memref<1x1x128xi32, #tpu.memory_space<hbm>>
        %dma_start3A_141 = tpu.memref_squeeze %dma_start3A_140 : memref<1x1x128xi32, #tpu.memory_space<hbm>> -> memref<1x128xi32, #tpu.memory_space<hbm>>
        %dma_start3A_142 = arith.constant 0 : i32
        %dma_start3A_143 = arith.constant 0 : i32
        %dma_start3A_144 = tpu.memref_slice %arg4[%add3A_129, %dma_start3A_142, %dma_start3A_143] : memref<2528x1x128xi32, #tpu.memory_space<hbm>> -> memref<1x1x128xi32, #tpu.memory_space<hbm>>
        %dma_start3A_145 = tpu.memref_squeeze %dma_start3A_144 : memref<1x1x128xi32, #tpu.memory_space<hbm>> -> memref<1x128xi32, #tpu.memory_space<hbm>>
        tpu.enqueue_dma source(%dma_start3A_145 : memref<1x128xi32, #tpu.memory_space<hbm>>) target(%arg9 : memref<1x128xi32, #tpu.memory_space<vmem>>) target_semaphore(%arg15 : memref<!tpu.dma_semaphore, #tpu.memory_space<semaphore_mem>>)
      } else {
      }
      %mul3A_105 = arith.constant 2 : i32
      %mul3A_106 = arith.muli %scan3A_84, %mul3A_105 : i32
      %add3A_107 = arith.constant 1 : i32
      %add3A_108 = arith.addi %mul3A_106, %add3A_107 : i32
      %add3A_109 = arith.constant 2 : i32
      %add3A_110 = arith.addi %add3A_108, %add3A_109 : i32
      %sub3A_111 = arith.constant 1 : i32
      %sub3A_112 = arith.subi %add3A_110, %sub3A_111 : i32
      %lt3A_113 = arith.cmpi slt, %sub3A_112, %select_n3A : i32
      %convert_element_type3A_114 = arith.extui %lt3A_113 : i1 to i32
      %cond3A_115 = arith.constant 0 : i32
      %cond3A_116 = arith.cmpi ne, %convert_element_type3A_114, %cond3A_115 : i32
      scf.if %cond3A_116 {
        %dma_wait3A_127 = arith.constant 0 : i32
        %dma_wait3A_128 = arith.constant 0 : i32
        %dma_wait3A_129 = arith.constant 0 : i32
        %dma_wait3A_130 = tpu.memref_slice %arg4[%dma_wait3A_127, %dma_wait3A_128, %dma_wait3A_129] : memref<2528x1x128xi32, #tpu.memory_space<hbm>> -> memref<1x1x128xi32, #tpu.memory_space<hbm>>
        %dma_wait3A_131 = tpu.memref_squeeze %dma_wait3A_130 : memref<1x1x128xi32, #tpu.memory_space<hbm>> -> memref<1x128xi32, #tpu.memory_space<hbm>>
        %dma_wait3A_132 = arith.constant 0 : i32
        %dma_wait3A_133 = arith.constant 0 : i32
        %dma_wait3A_134 = tpu.memref_slice %arg4[%dma_wait3A_127, %dma_wait3A_132, %dma_wait3A_133] : memref<2528x1x128xi32, #tpu.memory_space<hbm>> -> memref<1x1x128xi32, #tpu.memory_space<hbm>>
        %dma_wait3A_135 = tpu.memref_squeeze %dma_wait3A_134 : memref<1x1x128xi32, #tpu.memory_space<hbm>> -> memref<1x128xi32, #tpu.memory_space<hbm>>
        tpu.wait_dma2 semaphore(%arg15 : memref<!tpu.dma_semaphore, #tpu.memory_space<semaphore_mem>>) src(%dma_wait3A_135 : memref<1x128xi32, #tpu.memory_space<hbm>>) dst(%arg9 : memref<1x128xi32, #tpu.memory_space<vmem>>)
        %dma_wait3A_136 = arith.constant 0 : i32
        %dma_wait3A_137 = arith.constant 0 : i32
        %dma_wait3A_138 = arith.constant 0 : i32
        %dma_wait3A_139 = tpu.memref_slice %arg3[%dma_wait3A_136, %dma_wait3A_137, %dma_wait3A_138] : memref<2528x1x128xi32, #tpu.memory_space<hbm>> -> memref<1x1x128xi32, #tpu.memory_space<hbm>>
        %dma_wait3A_140 = tpu.memref_squeeze %dma_wait3A_139 : memref<1x1x128xi32, #tpu.memory_space<hbm>> -> memref<1x128xi32, #tpu.memory_space<hbm>>
        %dma_wait3A_141 = arith.constant 0 : i32
        %dma_wait3A_142 = arith.constant 0 : i32
        %dma_wait3A_143 = tpu.memref_slice %arg3[%dma_wait3A_136, %dma_wait3A_141, %dma_wait3A_142] : memref<2528x1x128xi32, #tpu.memory_space<hbm>> -> memref<1x1x128xi32, #tpu.memory_space<hbm>>
        %dma_wait3A_144 = tpu.memref_squeeze %dma_wait3A_143 : memref<1x1x128xi32, #tpu.memory_space<hbm>> -> memref<1x128xi32, #tpu.memory_space<hbm>>
        tpu.wait_dma2 semaphore(%arg15 : memref<!tpu.dma_semaphore, #tpu.memory_space<semaphore_mem>>) src(%dma_wait3A_144 : memref<1x128xi32, #tpu.memory_space<hbm>>) dst(%arg7 : memref<1x128xi32, #tpu.memory_space<vmem>>)
        %dma_start3A_145 = arith.constant 0 : i32
        %dma_start3A_146 = arith.constant 0 : i32
        %dma_start3A_147 = tpu.memref_slice %arg7[%dma_start3A_145, %dma_start3A_146] : memref<1x128xi32, #tpu.memory_space<vmem>> -> memref<1x128xi32, #tpu.memory_space<vmem>>
        %dma_start3A_148 = tpu.memref_squeeze %dma_start3A_147 : memref<1x128xi32, #tpu.memory_space<vmem>> -> memref<128xi32, #tpu.memory_space<vmem>>
        %dma_start3A_149 = arith.constant 0 : i32
        %dma_start3A_150 = arith.constant 0 : i32
        %dma_start3A_151 = tpu.memref_slice %arg2[%dma_start3A_149, %dma_start3A_150] : memref<10000x128xf32, #tpu.memory_space<hbm>> -> memref<10000x128xf32, #tpu.memory_space<hbm>>
        tpu.enqueue_indirect_dma source(%dma_start3A_151 : memref<10000x128xf32, #tpu.memory_space<hbm>>) target(%arg11 : memref<128x128xf32, #tpu.memory_space<vmem>>) offsets(%dma_start3A_148 : memref<128xi32, #tpu.memory_space<vmem>>) semaphore(%arg13 : memref<!tpu.dma_semaphore, #tpu.memory_space<semaphore_mem>>)
      } else {
      }
      %lt3A_117 = arith.cmpi slt, %add3A_108, %select_n3A : i32
      %convert_element_type3A_118 = arith.extui %lt3A_117 : i1 to i32
      %cond3A_119 = arith.constant 0 : i32
      %cond3A_120 = arith.cmpi ne, %convert_element_type3A_118, %cond3A_119 : i32
      scf.if %cond3A_120 {
        %dma_wait3A_127 = arith.constant 0 : i32
        %dma_wait3A_128 = arith.constant 0 : i32
        %dma_wait3A_129 = tpu.memref_slice %arg8[%dma_wait3A_127, %dma_wait3A_128] : memref<1x128xi32, #tpu.memory_space<vmem>> -> memref<1x128xi32, #tpu.memory_space<vmem>>
        %dma_wait3A_130 = tpu.memref_squeeze %dma_wait3A_129 : memref<1x128xi32, #tpu.memory_space<vmem>> -> memref<128xi32, #tpu.memory_space<vmem>>
        %dma_wait3A_131 = arith.constant 0 : i32
        %dma_wait3A_132 = arith.constant 0 : i32
        %dma_wait3A_133 = tpu.memref_slice %arg2[%dma_wait3A_131, %dma_wait3A_132] : memref<10000x128xf32, #tpu.memory_space<hbm>> -> memref<10000x128xf32, #tpu.memory_space<hbm>>
        tpu.wait_indirect_dma semaphore(%arg14 : memref<!tpu.dma_semaphore, #tpu.memory_space<semaphore_mem>>) src(%dma_wait3A_133 : memref<10000x128xf32, #tpu.memory_space<hbm>>) dst(%arg12 : memref<128x128xf32, #tpu.memory_space<vmem>>)
        %run_scoped3A = arith.constant 0 : i32
        "tpu.region"() ({
          %run_scoped3A_134 = tpu.sem_alloc : memref<!tpu.dma_semaphore, #tpu.memory_space<semaphore_mem>>
          %dma_start3A_135 = arith.constant 0 : i32
          %dma_start3A_136 = tpu.memref_slice %arg10[%run_scoped3A, %dma_start3A_135] : memref<1x128xi32, #tpu.memory_space<vmem>> -> memref<1x128xi32, #tpu.memory_space<vmem>>
          %dma_start3A_137 = tpu.memref_squeeze %dma_start3A_136 : memref<1x128xi32, #tpu.memory_space<vmem>> -> memref<128xi32, #tpu.memory_space<vmem>>
          %dma_start3A_138 = arith.constant 0 : i32
          %dma_start3A_139 = arith.constant 0 : i32
          %dma_start3A_140 = tpu.memref_slice %arg6[%dma_start3A_138, %dma_start3A_139] : memref<10008x128xf32, #tpu.memory_space<vmem_shared>> -> memref<10008x128xf32, #tpu.memory_space<vmem_shared>>
          tpu.enqueue_indirect_dma source(%arg12 : memref<128x128xf32, #tpu.memory_space<vmem>>) target(%dma_start3A_140 : memref<10008x128xf32, #tpu.memory_space<vmem_shared>>) offsets(%dma_start3A_137 : memref<128xi32, #tpu.memory_space<vmem>>) semaphore(%run_scoped3A_134 : memref<!tpu.dma_semaphore, #tpu.memory_space<semaphore_mem>>) {add = true}
          %dma_wait3A_141 = arith.constant 0 : i32
          %dma_wait3A_142 = tpu.memref_slice %arg10[%run_scoped3A, %dma_wait3A_141] : memref<1x128xi32, #tpu.memory_space<vmem>> -> memref<1x128xi32, #tpu.memory_space<vmem>>
          %dma_wait3A_143 = tpu.memref_squeeze %dma_wait3A_142 : memref<1x128xi32, #tpu.memory_space<vmem>> -> memref<128xi32, #tpu.memory_space<vmem>>
          %dma_wait3A_144 = arith.constant 0 : i32
          %dma_wait3A_145 = arith.constant 0 : i32
          %dma_wait3A_146 = tpu.memref_slice %arg6[%dma_wait3A_144, %dma_wait3A_145] : memref<10008x128xf32, #tpu.memory_space<vmem_shared>> -> memref<10008x128xf32, #tpu.memory_space<vmem_shared>>
          tpu.wait_indirect_dma semaphore(%run_scoped3A_134 : memref<!tpu.dma_semaphore, #tpu.memory_space<semaphore_mem>>) src(%arg12 : memref<128x128xf32, #tpu.memory_space<vmem>>) dst(%dma_wait3A_146 : memref<10008x128xf32, #tpu.memory_space<vmem_shared>>)
          tpu.yield
        }) : () -> ()
      } else {
      }
      %add3A_121 = arith.constant 2 : i32
      %add3A_122 = arith.addi %add3A_108, %add3A_121 : i32
      %lt3A_123 = arith.cmpi slt, %add3A_122, %select_n3A : i32
      %convert_element_type3A_124 = arith.extui %lt3A_123 : i1 to i32
      %cond3A_125 = arith.constant 0 : i32
      %cond3A_126 = arith.cmpi ne, %convert_element_type3A_124, %cond3A_125 : i32
      scf.if %cond3A_126 {
        %add3A_127 = arith.addi %select_n3A_13, %add3A_108 : i32
        %add3A_128 = arith.constant 2 : i32
        %add3A_129 = arith.addi %add3A_127, %add3A_128 : i32
        %dma_start3A_130 = arith.constant 0 : i32
        %dma_start3A_131 = arith.constant 0 : i32
        %dma_start3A_132 = tpu.memref_slice %arg3[%add3A_129, %dma_start3A_130, %dma_start3A_131] : memref<2528x1x128xi32, #tpu.memory_space<hbm>> -> memref<1x1x128xi32, #tpu.memory_space<hbm>>
        %dma_start3A_133 = tpu.memref_squeeze %dma_start3A_132 : memref<1x1x128xi32, #tpu.memory_space<hbm>> -> memref<1x128xi32, #tpu.memory_space<hbm>>
        %dma_start3A_134 = arith.constant 0 : i32
        %dma_start3A_135 = arith.constant 0 : i32
        %dma_start3A_136 = tpu.memref_slice %arg3[%add3A_129, %dma_start3A_134, %dma_start3A_135] : memref<2528x1x128xi32, #tpu.memory_space<hbm>> -> memref<1x1x128xi32, #tpu.memory_space<hbm>>
        %dma_start3A_137 = tpu.memref_squeeze %dma_start3A_136 : memref<1x1x128xi32, #tpu.memory_space<hbm>> -> memref<1x128xi32, #tpu.memory_space<hbm>>
        tpu.enqueue_dma source(%dma_start3A_137 : memref<1x128xi32, #tpu.memory_space<hbm>>) target(%arg8 : memref<1x128xi32, #tpu.memory_space<vmem>>) target_semaphore(%arg16 : memref<!tpu.dma_semaphore, #tpu.memory_space<semaphore_mem>>)
        %dma_start3A_138 = arith.constant 0 : i32
        %dma_start3A_139 = arith.constant 0 : i32
        %dma_start3A_140 = tpu.memref_slice %arg4[%add3A_129, %dma_start3A_138, %dma_start3A_139] : memref<2528x1x128xi32, #tpu.memory_space<hbm>> -> memref<1x1x128xi32, #tpu.memory_space<hbm>>
        %dma_start3A_141 = tpu.memref_squeeze %dma_start3A_140 : memref<1x1x128xi32, #tpu.memory_space<hbm>> -> memref<1x128xi32, #tpu.memory_space<hbm>>
        %dma_start3A_142 = arith.constant 0 : i32
        %dma_start3A_143 = arith.constant 0 : i32
        %dma_start3A_144 = tpu.memref_slice %arg4[%add3A_129, %dma_start3A_142, %dma_start3A_143] : memref<2528x1x128xi32, #tpu.memory_space<hbm>> -> memref<1x1x128xi32, #tpu.memory_space<hbm>>
        %dma_start3A_145 = tpu.memref_squeeze %dma_start3A_144 : memref<1x1x128xi32, #tpu.memory_space<hbm>> -> memref<1x128xi32, #tpu.memory_space<hbm>>
        tpu.enqueue_dma source(%dma_start3A_145 : memref<1x128xi32, #tpu.memory_space<hbm>>) target(%arg10 : memref<1x128xi32, #tpu.memory_space<vmem>>) target_semaphore(%arg16 : memref<!tpu.dma_semaphore, #tpu.memory_space<semaphore_mem>>)
      } else {
      }
    }
    %scan3A_77 = arith.constant 69 : i32
    %barrier3A_78 = arith.constant 0 : index
    tpu.barrier barrier_id(%barrier3A_78)
    "tpu.region"() ({
      %run_scoped3A = tpu.sem_alloc : memref<!tpu.dma_semaphore, #tpu.memory_space<semaphore_mem>>
      %dma_start3A_84 = arith.constant 0 : i32
      %dma_start3A_85 = arith.constant 0 : i32
      %dma_start3A_86 = tpu.memref_slice %arg5[%arg0, %dma_start3A_84, %dma_start3A_85] : memref<2x10000x128xf32, #tpu.memory_space<hbm>> -> memref<1x10000x128xf32, #tpu.memory_space<hbm>>
      %dma_start3A_87 = tpu.memref_squeeze %dma_start3A_86 : memref<1x10000x128xf32, #tpu.memory_space<hbm>> -> memref<10000x128xf32, #tpu.memory_space<hbm>>
      %dma_start3A_88 = arith.constant 0 : i32
      %dma_start3A_89 = tpu.memref_slice %dma_start3A_87[%mul3A_2, %dma_start3A_88] : memref<10000x128xf32, #tpu.memory_space<hbm>> -> memref<624x128xf32, #tpu.memory_space<hbm>>
      %dma_start3A_90 = arith.constant 0 : i32
      %dma_start3A_91 = tpu.memref_slice %arg6[%mul3A_2, %dma_start3A_90] : memref<10008x128xf32, #tpu.memory_space<vmem_shared>> -> memref<624x128xf32, #tpu.memory_space<vmem_shared>>
      tpu.enqueue_dma source(%dma_start3A_91 : memref<624x128xf32, #tpu.memory_space<vmem_shared>>) target(%dma_start3A_89 : memref<624x128xf32, #tpu.memory_space<hbm>>) target_semaphore(%run_scoped3A : memref<!tpu.dma_semaphore, #tpu.memory_space<semaphore_mem>>)
      %dma_wait3A_92 = arith.constant 0 : i32
      %dma_wait3A_93 = arith.constant 0 : i32
      %dma_wait3A_94 = tpu.memref_slice %arg5[%arg0, %dma_wait3A_92, %dma_wait3A_93] : memref<2x10000x128xf32, #tpu.memory_space<hbm>> -> memref<1x10000x128xf32, #tpu.memory_space<hbm>>
      %dma_wait3A_95 = tpu.memref_squeeze %dma_wait3A_94 : memref<1x10000x128xf32, #tpu.memory_space<hbm>> -> memref<10000x128xf32, #tpu.memory_space<hbm>>
      %dma_wait3A_96 = arith.constant 0 : i32
      %dma_wait3A_97 = tpu.memref_slice %dma_wait3A_95[%mul3A_2, %dma_wait3A_96] : memref<10000x128xf32, #tpu.memory_space<hbm>> -> memref<624x128xf32, #tpu.memory_space<hbm>>
      %dma_wait3A_98 = arith.constant 0 : i32
      %dma_wait3A_99 = tpu.memref_slice %arg6[%mul3A_2, %dma_wait3A_98] : memref<10008x128xf32, #tpu.memory_space<vmem_shared>> -> memref<624x128xf32, #tpu.memory_space<vmem_shared>>
      tpu.wait_dma2 semaphore(%run_scoped3A : memref<!tpu.dma_semaphore, #tpu.memory_space<semaphore_mem>>) src(%dma_wait3A_99 : memref<624x128xf32, #tpu.memory_space<vmem_shared>>) dst(%dma_wait3A_97 : memref<624x128xf32, #tpu.memory_space<hbm>>)
      tpu.yield
    }) : () -> ()
    %eq3A_79 = arith.constant 15 : i32
    %eq3A_80 = arith.cmpi eq, %arg1, %eq3A_79 : i32
    %convert_element_type3A_81 = arith.extui %eq3A_80 : i1 to i32
    %cond3A_82 = arith.constant 0 : i32
    %cond3A_83 = arith.cmpi ne, %convert_element_type3A_81, %cond3A_82 : i32
    scf.if %cond3A_83 {
      "tpu.region"() ({
        %run_scoped3A = tpu.sem_alloc : memref<!tpu.dma_semaphore, #tpu.memory_space<semaphore_mem>>
        %dma_start3A_84 = arith.constant 0 : i32
        %dma_start3A_85 = arith.constant 0 : i32
        %dma_start3A_86 = tpu.memref_slice %arg5[%arg0, %dma_start3A_84, %dma_start3A_85] : memref<2x10000x128xf32, #tpu.memory_space<hbm>> -> memref<1x10000x128xf32, #tpu.memory_space<hbm>>
        %dma_start3A_87 = tpu.memref_squeeze %dma_start3A_86 : memref<1x10000x128xf32, #tpu.memory_space<hbm>> -> memref<10000x128xf32, #tpu.memory_space<hbm>>
        %dma_start3A_88 = arith.constant 9984 : i32
        %dma_start3A_89 = arith.constant 0 : i32
        %dma_start3A_90 = tpu.memref_slice %dma_start3A_87[%dma_start3A_88, %dma_start3A_89] : memref<10000x128xf32, #tpu.memory_space<hbm>> -> memref<16x128xf32, #tpu.memory_space<hbm>>
        %dma_start3A_91 = arith.constant 9984 : i32
        %dma_start3A_92 = arith.constant 0 : i32
        %dma_start3A_93 = tpu.memref_slice %arg6[%dma_start3A_91, %dma_start3A_92] : memref<10008x128xf32, #tpu.memory_space<vmem_shared>> -> memref<16x128xf32, #tpu.memory_space<vmem_shared>>
        tpu.enqueue_dma source(%dma_start3A_93 : memref<16x128xf32, #tpu.memory_space<vmem_shared>>) target(%dma_start3A_90 : memref<16x128xf32, #tpu.memory_space<hbm>>) target_semaphore(%run_scoped3A : memref<!tpu.dma_semaphore, #tpu.memory_space<semaphore_mem>>)
        %dma_wait3A_94 = arith.constant 0 : i32
        %dma_wait3A_95 = arith.constant 0 : i32
        %dma_wait3A_96 = tpu.memref_slice %arg5[%arg0, %dma_wait3A_94, %dma_wait3A_95] : memref<2x10000x128xf32, #tpu.memory_space<hbm>> -> memref<1x10000x128xf32, #tpu.memory_space<hbm>>
        %dma_wait3A_97 = tpu.memref_squeeze %dma_wait3A_96 : memref<1x10000x128xf32, #tpu.memory_space<hbm>> -> memref<10000x128xf32, #tpu.memory_space<hbm>>
        %dma_wait3A_98 = arith.constant 9984 : i32
        %dma_wait3A_99 = arith.constant 0 : i32
        %dma_wait3A_100 = tpu.memref_slice %dma_wait3A_97[%dma_wait3A_98, %dma_wait3A_99] : memref<10000x128xf32, #tpu.memory_space<hbm>> -> memref<16x128xf32, #tpu.memory_space<hbm>>
        %dma_wait3A_101 = arith.constant 9984 : i32
        %dma_wait3A_102 = arith.constant 0 : i32
        %dma_wait3A_103 = tpu.memref_slice %arg6[%dma_wait3A_101, %dma_wait3A_102] : memref<10008x128xf32, #tpu.memory_space<vmem_shared>> -> memref<16x128xf32, #tpu.memory_space<vmem_shared>>
        tpu.wait_dma2 semaphore(%run_scoped3A : memref<!tpu.dma_semaphore, #tpu.memory_space<semaphore_mem>>) src(%dma_wait3A_103 : memref<16x128xf32, #tpu.memory_space<vmem_shared>>) dst(%dma_wait3A_100 : memref<16x128xf32, #tpu.memory_space<hbm>>)
        tpu.yield
      }) : () -> ()
    } else {
    }
    return
  }
}

#map = affine_map<(d0, d1) -> (0, 0)>
#map1 = affine_map<(d0, d1) -> (0, 0, 0)>
module attributes {stable_mosaic.version = 14 : i64} {
  func.func @seg(%arg0: i32, %arg1: i32, %arg2: memref<10000x128xf32, #tpu.memory_space<hbm>>, %arg3: memref<2528x1x128xi32, #tpu.memory_space<hbm>>, %arg4: memref<2528x1x128xi32, #tpu.memory_space<hbm>>, %arg5: memref<2x10000x128xf32, #tpu.memory_space<hbm>>, %arg6: memref<10008x128xf32, #tpu.memory_space<vmem_shared>>, %arg7: memref<1x128xi32, #tpu.memory_space<vmem>>, %arg8: memref<1x128xi32, #tpu.memory_space<vmem>>, %arg9: memref<1x128xi32, #tpu.memory_space<vmem>>, %arg10: memref<1x128xi32, #tpu.memory_space<vmem>>, %arg11: memref<128x128xf32, #tpu.memory_space<vmem>>, %arg12: memref<128x128xf32, #tpu.memory_space<vmem>>, %arg13: memref<!tpu.dma_semaphore, #tpu.memory_space<semaphore_mem>>, %arg14: memref<!tpu.dma_semaphore, #tpu.memory_space<semaphore_mem>>, %arg15: memref<!tpu.dma_semaphore, #tpu.memory_space<semaphore_mem>>, %arg16: memref<!tpu.dma_semaphore, #tpu.memory_space<semaphore_mem>>) attributes {dimension_semantics = [#tpu.dimension_semantics<core_parallel>, #tpu.dimension_semantics<subcore_parallel>], iteration_bounds = array<i64: 2, 16>, scalar_prefetch = 0 : i64, scratch_operands = 11 : i64, tpu.core_type = #tpu.core_type<sc_vector_subcore>, window_params = [{transform_indices = #map}, {transform_indices = #map1}, {transform_indices = #map1}, {transform_indices = #map1}]} {
    %eq3A = arith.constant 0 : i32
    %eq3A_0 = arith.cmpi eq, %arg0, %eq3A : i32
    %jit3A = arith.constant 138 : i32
    %jit3A_1 = arith.constant 20 : i32
    %select_n3A = arith.select %eq3A_0, %jit3A, %jit3A_1 : i32
    %mul3A = arith.constant 624 : i32
    %mul3A_2 = arith.muli %arg1, %mul3A : i32
    "tpu.region"() ({
      %run_scoped3A = tpu.sem_alloc : memref<!tpu.dma_semaphore, #tpu.memory_space<semaphore_mem>>
      %dma_start3A_84 = arith.constant 0 : i32
      %dma_start3A_85 = tpu.memref_slice %arg6[%mul3A_2, %dma_start3A_84] : memref<10008x128xf32, #tpu.memory_space<vmem_shared>> -> memref<624x128xf32, #tpu.memory_space<vmem_shared>>
      %dma_start3A_86 = arith.constant 0 : i32
      %dma_start3A_87 = tpu.memref_slice %arg2[%mul3A_2, %dma_start3A_86] : memref<10000x128xf32, #tpu.memory_space<hbm>> -> memref<624x128xf32, #tpu.memory_space<hbm>>
      tpu.enqueue_dma source(%dma_start3A_87 : memref<624x128xf32, #tpu.memory_space<hbm>>) target(%dma_start3A_85 : memref<624x128xf32, #tpu.memory_space<vmem_shared>>) target_semaphore(%run_scoped3A : memref<!tpu.dma_semaphore, #tpu.memory_space<semaphore_mem>>)
      %dma_wait3A_88 = arith.constant 0 : i32
      %dma_wait3A_89 = tpu.memref_slice %arg6[%mul3A_2, %dma_wait3A_88] : memref<10008x128xf32, #tpu.memory_space<vmem_shared>> -> memref<624x128xf32, #tpu.memory_space<vmem_shared>>
      %dma_wait3A_90 = arith.constant 0 : i32
      %dma_wait3A_91 = tpu.memref_slice %arg2[%mul3A_2, %dma_wait3A_90] : memref<10000x128xf32, #tpu.memory_space<hbm>> -> memref<624x128xf32, #tpu.memory_space<hbm>>
      tpu.wait_dma2 semaphore(%run_scoped3A : memref<!tpu.dma_semaphore, #tpu.memory_space<semaphore_mem>>) src(%dma_wait3A_91 : memref<624x128xf32, #tpu.memory_space<hbm>>) dst(%dma_wait3A_89 : memref<624x128xf32, #tpu.memory_space<vmem_shared>>)
      tpu.yield
    }) : () -> ()
    %eq3A_3 = arith.constant 15 : i32
    %eq3A_4 = arith.cmpi eq, %arg1, %eq3A_3 : i32
    %convert_element_type3A = arith.extui %eq3A_4 : i1 to i32
    %cond3A = arith.constant 0 : i32
    %cond3A_5 = arith.cmpi ne, %convert_element_type3A, %cond3A : i32
    scf.if %cond3A_5 {
      "tpu.region"() ({
        %run_scoped3A = tpu.sem_alloc : memref<!tpu.dma_semaphore, #tpu.memory_space<semaphore_mem>>
        %dma_start3A_84 = arith.constant 9984 : i32
        %dma_start3A_85 = arith.constant 0 : i32
        %dma_start3A_86 = tpu.memref_slice %arg6[%dma_start3A_84, %dma_start3A_85] : memref<10008x128xf32, #tpu.memory_space<vmem_shared>> -> memref<16x128xf32, #tpu.memory_space<vmem_shared>>
        %dma_start3A_87 = arith.constant 9984 : i32
        %dma_start3A_88 = arith.constant 0 : i32
        %dma_start3A_89 = tpu.memref_slice %arg2[%dma_start3A_87, %dma_start3A_88] : memref<10000x128xf32, #tpu.memory_space<hbm>> -> memref<16x128xf32, #tpu.memory_space<hbm>>
        tpu.enqueue_dma source(%dma_start3A_89 : memref<16x128xf32, #tpu.memory_space<hbm>>) target(%dma_start3A_86 : memref<16x128xf32, #tpu.memory_space<vmem_shared>>) target_semaphore(%run_scoped3A : memref<!tpu.dma_semaphore, #tpu.memory_space<semaphore_mem>>)
        %dma_wait3A_90 = arith.constant 9984 : i32
        %dma_wait3A_91 = arith.constant 0 : i32
        %dma_wait3A_92 = tpu.memref_slice %arg6[%dma_wait3A_90, %dma_wait3A_91] : memref<10008x128xf32, #tpu.memory_space<vmem_shared>> -> memref<16x128xf32, #tpu.memory_space<vmem_shared>>
        %dma_wait3A_93 = arith.constant 9984 : i32
        %dma_wait3A_94 = arith.constant 0 : i32
        %dma_wait3A_95 = tpu.memref_slice %arg2[%dma_wait3A_93, %dma_wait3A_94] : memref<10000x128xf32, #tpu.memory_space<hbm>> -> memref<16x128xf32, #tpu.memory_space<hbm>>
        tpu.wait_dma2 semaphore(%run_scoped3A : memref<!tpu.dma_semaphore, #tpu.memory_space<semaphore_mem>>) src(%dma_wait3A_95 : memref<16x128xf32, #tpu.memory_space<hbm>>) dst(%dma_wait3A_92 : memref<16x128xf32, #tpu.memory_space<vmem_shared>>)
        tpu.yield
      }) : () -> ()
    } else {
    }
    %barrier3A = arith.constant 0 : index
    tpu.barrier barrier_id(%barrier3A)
    %eq3A_6 = arith.constant 0 : i32
    %eq3A_7 = arith.cmpi eq, %arg0, %eq3A_6 : i32
    %mul3A_8 = arith.constant 138 : i32
    %mul3A_9 = arith.muli %arg1, %mul3A_8 : i32
    %mul3A_10 = arith.constant 20 : i32
    %mul3A_11 = arith.muli %arg1, %mul3A_10 : i32
    %add3A = arith.constant 2208 : i32
    %add3A_12 = arith.addi %add3A, %mul3A_11 : i32
    %select_n3A_13 = arith.select %eq3A_7, %mul3A_9, %add3A_12 : i32
    %add3A_14 = arith.constant 0 : i32
    %add3A_15 = arith.addi %select_n3A_13, %add3A_14 : i32
    %dma_start3A = arith.constant 0 : i32
    %dma_start3A_16 = arith.constant 0 : i32
    %dma_start3A_17 = tpu.memref_slice %arg3[%add3A_15, %dma_start3A, %dma_start3A_16] : memref<2528x1x128xi32, #tpu.memory_space<hbm>> -> memref<1x1x128xi32, #tpu.memory_space<hbm>>
    %dma_start3A_18 = tpu.memref_squeeze %dma_start3A_17 : memref<1x1x128xi32, #tpu.memory_space<hbm>> -> memref<1x128xi32, #tpu.memory_space<hbm>>
    %dma_start3A_19 = arith.constant 0 : i32
    %dma_start3A_20 = arith.constant 0 : i32
    %dma_start3A_21 = tpu.memref_slice %arg3[%add3A_15, %dma_start3A_19, %dma_start3A_20] : memref<2528x1x128xi32, #tpu.memory_space<hbm>> -> memref<1x1x128xi32, #tpu.memory_space<hbm>>
    %dma_start3A_22 = tpu.memref_squeeze %dma_start3A_21 : memref<1x1x128xi32, #tpu.memory_space<hbm>> -> memref<1x128xi32, #tpu.memory_space<hbm>>
    tpu.enqueue_dma source(%dma_start3A_22 : memref<1x128xi32, #tpu.memory_space<hbm>>) target(%arg7 : memref<1x128xi32, #tpu.memory_space<vmem>>) target_semaphore(%arg15 : memref<!tpu.dma_semaphore, #tpu.memory_space<semaphore_mem>>)
    %dma_start3A_23 = arith.constant 0 : i32
    %dma_start3A_24 = arith.constant 0 : i32
    %dma_start3A_25 = tpu.memref_slice %arg4[%add3A_15, %dma_start3A_23, %dma_start3A_24] : memref<2528x1x128xi32, #tpu.memory_space<hbm>> -> memref<1x1x128xi32, #tpu.memory_space<hbm>>
    %dma_start3A_26 = tpu.memref_squeeze %dma_start3A_25 : memref<1x1x128xi32, #tpu.memory_space<hbm>> -> memref<1x128xi32, #tpu.memory_space<hbm>>
    %dma_start3A_27 = arith.constant 0 : i32
    %dma_start3A_28 = arith.constant 0 : i32
    %dma_start3A_29 = tpu.memref_slice %arg4[%add3A_15, %dma_start3A_27, %dma_start3A_28] : memref<2528x1x128xi32, #tpu.memory_space<hbm>> -> memref<1x1x128xi32, #tpu.memory_space<hbm>>
    %dma_start3A_30 = tpu.memref_squeeze %dma_start3A_29 : memref<1x1x128xi32, #tpu.memory_space<hbm>> -> memref<1x128xi32, #tpu.memory_space<hbm>>
    tpu.enqueue_dma source(%dma_start3A_30 : memref<1x128xi32, #tpu.memory_space<hbm>>) target(%arg9 : memref<1x128xi32, #tpu.memory_space<vmem>>) target_semaphore(%arg15 : memref<!tpu.dma_semaphore, #tpu.memory_space<semaphore_mem>>)
    %add3A_31 = arith.constant 1 : i32
    %add3A_32 = arith.addi %select_n3A_13, %add3A_31 : i32
    %dma_start3A_33 = arith.constant 0 : i32
    %dma_start3A_34 = arith.constant 0 : i32
    %dma_start3A_35 = tpu.memref_slice %arg3[%add3A_32, %dma_start3A_33, %dma_start3A_34] : memref<2528x1x128xi32, #tpu.memory_space<hbm>> -> memref<1x1x128xi32, #tpu.memory_space<hbm>>
    %dma_start3A_36 = tpu.memref_squeeze %dma_start3A_35 : memref<1x1x128xi32, #tpu.memory_space<hbm>> -> memref<1x128xi32, #tpu.memory_space<hbm>>
    %dma_start3A_37 = arith.constant 0 : i32
    %dma_start3A_38 = arith.constant 0 : i32
    %dma_start3A_39 = tpu.memref_slice %arg3[%add3A_32, %dma_start3A_37, %dma_start3A_38] : memref<2528x1x128xi32, #tpu.memory_space<hbm>> -> memref<1x1x128xi32, #tpu.memory_space<hbm>>
    %dma_start3A_40 = tpu.memref_squeeze %dma_start3A_39 : memref<1x1x128xi32, #tpu.memory_space<hbm>> -> memref<1x128xi32, #tpu.memory_space<hbm>>
    tpu.enqueue_dma source(%dma_start3A_40 : memref<1x128xi32, #tpu.memory_space<hbm>>) target(%arg8 : memref<1x128xi32, #tpu.memory_space<vmem>>) target_semaphore(%arg16 : memref<!tpu.dma_semaphore, #tpu.memory_space<semaphore_mem>>)
    %dma_start3A_41 = arith.constant 0 : i32
    %dma_start3A_42 = arith.constant 0 : i32
    %dma_start3A_43 = tpu.memref_slice %arg4[%add3A_32, %dma_start3A_41, %dma_start3A_42] : memref<2528x1x128xi32, #tpu.memory_space<hbm>> -> memref<1x1x128xi32, #tpu.memory_space<hbm>>
    %dma_start3A_44 = tpu.memref_squeeze %dma_start3A_43 : memref<1x1x128xi32, #tpu.memory_space<hbm>> -> memref<1x128xi32, #tpu.memory_space<hbm>>
    %dma_start3A_45 = arith.constant 0 : i32
    %dma_start3A_46 = arith.constant 0 : i32
    %dma_start3A_47 = tpu.memref_slice %arg4[%add3A_32, %dma_start3A_45, %dma_start3A_46] : memref<2528x1x128xi32, #tpu.memory_space<hbm>> -> memref<1x1x128xi32, #tpu.memory_space<hbm>>
    %dma_start3A_48 = tpu.memref_squeeze %dma_start3A_47 : memref<1x1x128xi32, #tpu.memory_space<hbm>> -> memref<1x128xi32, #tpu.memory_space<hbm>>
    tpu.enqueue_dma source(%dma_start3A_48 : memref<1x128xi32, #tpu.memory_space<hbm>>) target(%arg10 : memref<1x128xi32, #tpu.memory_space<vmem>>) target_semaphore(%arg16 : memref<!tpu.dma_semaphore, #tpu.memory_space<semaphore_mem>>)
    %dma_wait3A = arith.constant 0 : i32
    %dma_wait3A_49 = arith.constant 0 : i32
    %dma_wait3A_50 = arith.constant 0 : i32
    %dma_wait3A_51 = tpu.memref_slice %arg4[%dma_wait3A, %dma_wait3A_49, %dma_wait3A_50] : memref<2528x1x128xi32, #tpu.memory_space<hbm>> -> memref<1x1x128xi32, #tpu.memory_space<hbm>>
    %dma_wait3A_52 = tpu.memref_squeeze %dma_wait3A_51 : memref<1x1x128xi32, #tpu.memory_space<hbm>> -> memref<1x128xi32, #tpu.memory_space<hbm>>
    %dma_wait3A_53 = arith.constant 0 : i32
    %dma_wait3A_54 = arith.constant 0 : i32
    %dma_wait3A_55 = tpu.memref_slice %arg4[%dma_wait3A, %dma_wait3A_53, %dma_wait3A_54] : memref<2528x1x128xi32, #tpu.memory_space<hbm>> -> memref<1x1x128xi32, #tpu.memory_space<hbm>>
    %dma_wait3A_56 = tpu.memref_squeeze %dma_wait3A_55 : memref<1x1x128xi32, #tpu.memory_space<hbm>> -> memref<1x128xi32, #tpu.memory_space<hbm>>
    tpu.wait_dma2 semaphore(%arg15 : memref<!tpu.dma_semaphore, #tpu.memory_space<semaphore_mem>>) src(%dma_wait3A_56 : memref<1x128xi32, #tpu.memory_space<hbm>>) dst(%arg9 : memref<1x128xi32, #tpu.memory_space<vmem>>)
    %dma_wait3A_57 = arith.constant 0 : i32
    %dma_wait3A_58 = arith.constant 0 : i32
    %dma_wait3A_59 = arith.constant 0 : i32
    %dma_wait3A_60 = tpu.memref_slice %arg3[%dma_wait3A_57, %dma_wait3A_58, %dma_wait3A_59] : memref<2528x1x128xi32, #tpu.memory_space<hbm>> -> memref<1x1x128xi32, #tpu.memory_space<hbm>>
    %dma_wait3A_61 = tpu.memref_squeeze %dma_wait3A_60 : memref<1x1x128xi32, #tpu.memory_space<hbm>> -> memref<1x128xi32, #tpu.memory_space<hbm>>
    %dma_wait3A_62 = arith.constant 0 : i32
    %dma_wait3A_63 = arith.constant 0 : i32
    %dma_wait3A_64 = tpu.memref_slice %arg3[%dma_wait3A_57, %dma_wait3A_62, %dma_wait3A_63] : memref<2528x1x128xi32, #tpu.memory_space<hbm>> -> memref<1x1x128xi32, #tpu.memory_space<hbm>>
    %dma_wait3A_65 = tpu.memref_squeeze %dma_wait3A_64 : memref<1x1x128xi32, #tpu.memory_space<hbm>> -> memref<1x128xi32, #tpu.memory_space<hbm>>
    tpu.wait_dma2 semaphore(%arg15 : memref<!tpu.dma_semaphore, #tpu.memory_space<semaphore_mem>>) src(%dma_wait3A_65 : memref<1x128xi32, #tpu.memory_space<hbm>>) dst(%arg7 : memref<1x128xi32, #tpu.memory_space<vmem>>)
    %dma_start3A_66 = arith.constant 0 : i32
    %dma_start3A_67 = arith.constant 0 : i32
    %dma_start3A_68 = tpu.memref_slice %arg7[%dma_start3A_66, %dma_start3A_67] : memref<1x128xi32, #tpu.memory_space<vmem>> -> memref<1x128xi32, #tpu.memory_space<vmem>>
    %dma_start3A_69 = tpu.memref_squeeze %dma_start3A_68 : memref<1x128xi32, #tpu.memory_space<vmem>> -> memref<128xi32, #tpu.memory_space<vmem>>
    %dma_start3A_70 = arith.constant 0 : i32
    %dma_start3A_71 = arith.constant 0 : i32
    %dma_start3A_72 = tpu.memref_slice %arg2[%dma_start3A_70, %dma_start3A_71] : memref<10000x128xf32, #tpu.memory_space<hbm>> -> memref<10000x128xf32, #tpu.memory_space<hbm>>
    tpu.enqueue_indirect_dma source(%dma_start3A_72 : memref<10000x128xf32, #tpu.memory_space<hbm>>) target(%arg11 : memref<128x128xf32, #tpu.memory_space<vmem>>) offsets(%dma_start3A_69 : memref<128xi32, #tpu.memory_space<vmem>>) semaphore(%arg13 : memref<!tpu.dma_semaphore, #tpu.memory_space<semaphore_mem>>)
    %scan3A = arith.constant 0 : i32
    %scan3A_73 = arith.constant 0 : i32
    %scan3A_74 = arith.constant 69 : i32
    %scan3A_75 = arith.addi %scan3A_73, %scan3A_74 : i32
    %scan3A_76 = arith.constant 1 : i32
    scf.for %scan3A_84 = %scan3A_73 to %scan3A_75 step %scan3A_76  : i32 {
      %mul3A_85 = arith.constant 2 : i32
      %mul3A_86 = arith.muli %scan3A_84, %mul3A_85 : i32
      %add3A_87 = arith.constant 0 : i32
      %add3A_88 = arith.addi %mul3A_86, %add3A_87 : i32
      %add3A_89 = arith.constant 2 : i32
      %add3A_90 = arith.addi %add3A_88, %add3A_89 : i32
      %sub3A = arith.constant 1 : i32
      %sub3A_91 = arith.subi %add3A_90, %sub3A : i32
      %lt3A = arith.cmpi slt, %sub3A_91, %select_n3A : i32
      %convert_element_type3A_92 = arith.extui %lt3A : i1 to i32
      %cond3A_93 = arith.constant 0 : i32
      %cond3A_94 = arith.cmpi ne, %convert_element_type3A_92, %cond3A_93 : i32
      scf.if %cond3A_94 {
        %dma_wait3A_127 = arith.constant 0 : i32
        %dma_wait3A_128 = arith.constant 0 : i32
        %dma_wait3A_129 = arith.constant 0 : i32
        %dma_wait3A_130 = tpu.memref_slice %arg4[%dma_wait3A_127, %dma_wait3A_128, %dma_wait3A_129] : memref<2528x1x128xi32, #tpu.memory_space<hbm>> -> memref<1x1x128xi32, #tpu.memory_space<hbm>>
        %dma_wait3A_131 = tpu.memref_squeeze %dma_wait3A_130 : memref<1x1x128xi32, #tpu.memory_space<hbm>> -> memref<1x128xi32, #tpu.memory_space<hbm>>
        %dma_wait3A_132 = arith.constant 0 : i32
        %dma_wait3A_133 = arith.constant 0 : i32
        %dma_wait3A_134 = tpu.memref_slice %arg4[%dma_wait3A_127, %dma_wait3A_132, %dma_wait3A_133] : memref<2528x1x128xi32, #tpu.memory_space<hbm>> -> memref<1x1x128xi32, #tpu.memory_space<hbm>>
        %dma_wait3A_135 = tpu.memref_squeeze %dma_wait3A_134 : memref<1x1x128xi32, #tpu.memory_space<hbm>> -> memref<1x128xi32, #tpu.memory_space<hbm>>
        tpu.wait_dma2 semaphore(%arg16 : memref<!tpu.dma_semaphore, #tpu.memory_space<semaphore_mem>>) src(%dma_wait3A_135 : memref<1x128xi32, #tpu.memory_space<hbm>>) dst(%arg10 : memref<1x128xi32, #tpu.memory_space<vmem>>)
        %dma_wait3A_136 = arith.constant 0 : i32
        %dma_wait3A_137 = arith.constant 0 : i32
        %dma_wait3A_138 = arith.constant 0 : i32
        %dma_wait3A_139 = tpu.memref_slice %arg3[%dma_wait3A_136, %dma_wait3A_137, %dma_wait3A_138] : memref<2528x1x128xi32, #tpu.memory_space<hbm>> -> memref<1x1x128xi32, #tpu.memory_space<hbm>>
        %dma_wait3A_140 = tpu.memref_squeeze %dma_wait3A_139 : memref<1x1x128xi32, #tpu.memory_space<hbm>> -> memref<1x128xi32, #tpu.memory_space<hbm>>
        %dma_wait3A_141 = arith.constant 0 : i32
        %dma_wait3A_142 = arith.constant 0 : i32
        %dma_wait3A_143 = tpu.memref_slice %arg3[%dma_wait3A_136, %dma_wait3A_141, %dma_wait3A_142] : memref<2528x1x128xi32, #tpu.memory_space<hbm>> -> memref<1x1x128xi32, #tpu.memory_space<hbm>>
        %dma_wait3A_144 = tpu.memref_squeeze %dma_wait3A_143 : memref<1x1x128xi32, #tpu.memory_space<hbm>> -> memref<1x128xi32, #tpu.memory_space<hbm>>
        tpu.wait_dma2 semaphore(%arg16 : memref<!tpu.dma_semaphore, #tpu.memory_space<semaphore_mem>>) src(%dma_wait3A_144 : memref<1x128xi32, #tpu.memory_space<hbm>>) dst(%arg8 : memref<1x128xi32, #tpu.memory_space<vmem>>)
        %dma_start3A_145 = arith.constant 0 : i32
        %dma_start3A_146 = arith.constant 0 : i32
        %dma_start3A_147 = tpu.memref_slice %arg8[%dma_start3A_145, %dma_start3A_146] : memref<1x128xi32, #tpu.memory_space<vmem>> -> memref<1x128xi32, #tpu.memory_space<vmem>>
        %dma_start3A_148 = tpu.memref_squeeze %dma_start3A_147 : memref<1x128xi32, #tpu.memory_space<vmem>> -> memref<128xi32, #tpu.memory_space<vmem>>
        %dma_start3A_149 = arith.constant 0 : i32
        %dma_start3A_150 = arith.constant 0 : i32
        %dma_start3A_151 = tpu.memref_slice %arg2[%dma_start3A_149, %dma_start3A_150] : memref<10000x128xf32, #tpu.memory_space<hbm>> -> memref<10000x128xf32, #tpu.memory_space<hbm>>
        tpu.enqueue_indirect_dma source(%dma_start3A_151 : memref<10000x128xf32, #tpu.memory_space<hbm>>) target(%arg12 : memref<128x128xf32, #tpu.memory_space<vmem>>) offsets(%dma_start3A_148 : memref<128xi32, #tpu.memory_space<vmem>>) semaphore(%arg14 : memref<!tpu.dma_semaphore, #tpu.memory_space<semaphore_mem>>)
      } else {
      }
      %lt3A_95 = arith.cmpi slt, %add3A_88, %select_n3A : i32
      %convert_element_type3A_96 = arith.extui %lt3A_95 : i1 to i32
      %cond3A_97 = arith.constant 0 : i32
      %cond3A_98 = arith.cmpi ne, %convert_element_type3A_96, %cond3A_97 : i32
      scf.if %cond3A_98 {
        %dma_wait3A_127 = arith.constant 0 : i32
        %dma_wait3A_128 = arith.constant 0 : i32
        %dma_wait3A_129 = tpu.memref_slice %arg7[%dma_wait3A_127, %dma_wait3A_128] : memref<1x128xi32, #tpu.memory_space<vmem>> -> memref<1x128xi32, #tpu.memory_space<vmem>>
        %dma_wait3A_130 = tpu.memref_squeeze %dma_wait3A_129 : memref<1x128xi32, #tpu.memory_space<vmem>> -> memref<128xi32, #tpu.memory_space<vmem>>
        %dma_wait3A_131 = arith.constant 0 : i32
        %dma_wait3A_132 = arith.constant 0 : i32
        %dma_wait3A_133 = tpu.memref_slice %arg2[%dma_wait3A_131, %dma_wait3A_132] : memref<10000x128xf32, #tpu.memory_space<hbm>> -> memref<10000x128xf32, #tpu.memory_space<hbm>>
        tpu.wait_indirect_dma semaphore(%arg13 : memref<!tpu.dma_semaphore, #tpu.memory_space<semaphore_mem>>) src(%dma_wait3A_133 : memref<10000x128xf32, #tpu.memory_space<hbm>>) dst(%arg11 : memref<128x128xf32, #tpu.memory_space<vmem>>)
        %run_scoped3A = arith.constant 0 : i32
        "tpu.region"() ({
          %run_scoped3A_134 = tpu.sem_alloc : memref<!tpu.dma_semaphore, #tpu.memory_space<semaphore_mem>>
          %dma_start3A_135 = arith.constant 0 : i32
          %dma_start3A_136 = tpu.memref_slice %arg9[%run_scoped3A, %dma_start3A_135] : memref<1x128xi32, #tpu.memory_space<vmem>> -> memref<1x128xi32, #tpu.memory_space<vmem>>
          %dma_start3A_137 = tpu.memref_squeeze %dma_start3A_136 : memref<1x128xi32, #tpu.memory_space<vmem>> -> memref<128xi32, #tpu.memory_space<vmem>>
          %dma_start3A_138 = arith.constant 0 : i32
          %dma_start3A_139 = arith.constant 0 : i32
          %dma_start3A_140 = tpu.memref_slice %arg6[%dma_start3A_138, %dma_start3A_139] : memref<10008x128xf32, #tpu.memory_space<vmem_shared>> -> memref<10008x128xf32, #tpu.memory_space<vmem_shared>>
          tpu.enqueue_indirect_dma source(%arg11 : memref<128x128xf32, #tpu.memory_space<vmem>>) target(%dma_start3A_140 : memref<10008x128xf32, #tpu.memory_space<vmem_shared>>) offsets(%dma_start3A_137 : memref<128xi32, #tpu.memory_space<vmem>>) semaphore(%run_scoped3A_134 : memref<!tpu.dma_semaphore, #tpu.memory_space<semaphore_mem>>) {add = true}
          %dma_wait3A_141 = arith.constant 0 : i32
          %dma_wait3A_142 = tpu.memref_slice %arg9[%run_scoped3A, %dma_wait3A_141] : memref<1x128xi32, #tpu.memory_space<vmem>> -> memref<1x128xi32, #tpu.memory_space<vmem>>
          %dma_wait3A_143 = tpu.memref_squeeze %dma_wait3A_142 : memref<1x128xi32, #tpu.memory_space<vmem>> -> memref<128xi32, #tpu.memory_space<vmem>>
          %dma_wait3A_144 = arith.constant 0 : i32
          %dma_wait3A_145 = arith.constant 0 : i32
          %dma_wait3A_146 = tpu.memref_slice %arg6[%dma_wait3A_144, %dma_wait3A_145] : memref<10008x128xf32, #tpu.memory_space<vmem_shared>> -> memref<10008x128xf32, #tpu.memory_space<vmem_shared>>
          tpu.wait_indirect_dma semaphore(%run_scoped3A_134 : memref<!tpu.dma_semaphore, #tpu.memory_space<semaphore_mem>>) src(%arg11 : memref<128x128xf32, #tpu.memory_space<vmem>>) dst(%dma_wait3A_146 : memref<10008x128xf32, #tpu.memory_space<vmem_shared>>)
          tpu.yield
        }) : () -> ()
      } else {
      }
      %add3A_99 = arith.constant 2 : i32
      %add3A_100 = arith.addi %add3A_88, %add3A_99 : i32
      %lt3A_101 = arith.cmpi slt, %add3A_100, %select_n3A : i32
      %convert_element_type3A_102 = arith.extui %lt3A_101 : i1 to i32
      %cond3A_103 = arith.constant 0 : i32
      %cond3A_104 = arith.cmpi ne, %convert_element_type3A_102, %cond3A_103 : i32
      scf.if %cond3A_104 {
        %add3A_127 = arith.addi %select_n3A_13, %add3A_88 : i32
        %add3A_128 = arith.constant 2 : i32
        %add3A_129 = arith.addi %add3A_127, %add3A_128 : i32
        %dma_start3A_130 = arith.constant 0 : i32
        %dma_start3A_131 = arith.constant 0 : i32
        %dma_start3A_132 = tpu.memref_slice %arg3[%add3A_129, %dma_start3A_130, %dma_start3A_131] : memref<2528x1x128xi32, #tpu.memory_space<hbm>> -> memref<1x1x128xi32, #tpu.memory_space<hbm>>
        %dma_start3A_133 = tpu.memref_squeeze %dma_start3A_132 : memref<1x1x128xi32, #tpu.memory_space<hbm>> -> memref<1x128xi32, #tpu.memory_space<hbm>>
        %dma_start3A_134 = arith.constant 0 : i32
        %dma_start3A_135 = arith.constant 0 : i32
        %dma_start3A_136 = tpu.memref_slice %arg3[%add3A_129, %dma_start3A_134, %dma_start3A_135] : memref<2528x1x128xi32, #tpu.memory_space<hbm>> -> memref<1x1x128xi32, #tpu.memory_space<hbm>>
        %dma_start3A_137 = tpu.memref_squeeze %dma_start3A_136 : memref<1x1x128xi32, #tpu.memory_space<hbm>> -> memref<1x128xi32, #tpu.memory_space<hbm>>
        tpu.enqueue_dma source(%dma_start3A_137 : memref<1x128xi32, #tpu.memory_space<hbm>>) target(%arg7 : memref<1x128xi32, #tpu.memory_space<vmem>>) target_semaphore(%arg15 : memref<!tpu.dma_semaphore, #tpu.memory_space<semaphore_mem>>)
        %dma_start3A_138 = arith.constant 0 : i32
        %dma_start3A_139 = arith.constant 0 : i32
        %dma_start3A_140 = tpu.memref_slice %arg4[%add3A_129, %dma_start3A_138, %dma_start3A_139] : memref<2528x1x128xi32, #tpu.memory_space<hbm>> -> memref<1x1x128xi32, #tpu.memory_space<hbm>>
        %dma_start3A_141 = tpu.memref_squeeze %dma_start3A_140 : memref<1x1x128xi32, #tpu.memory_space<hbm>> -> memref<1x128xi32, #tpu.memory_space<hbm>>
        %dma_start3A_142 = arith.constant 0 : i32
        %dma_start3A_143 = arith.constant 0 : i32
        %dma_start3A_144 = tpu.memref_slice %arg4[%add3A_129, %dma_start3A_142, %dma_start3A_143] : memref<2528x1x128xi32, #tpu.memory_space<hbm>> -> memref<1x1x128xi32, #tpu.memory_space<hbm>>
        %dma_start3A_145 = tpu.memref_squeeze %dma_start3A_144 : memref<1x1x128xi32, #tpu.memory_space<hbm>> -> memref<1x128xi32, #tpu.memory_space<hbm>>
        tpu.enqueue_dma source(%dma_start3A_145 : memref<1x128xi32, #tpu.memory_space<hbm>>) target(%arg9 : memref<1x128xi32, #tpu.memory_space<vmem>>) target_semaphore(%arg15 : memref<!tpu.dma_semaphore, #tpu.memory_space<semaphore_mem>>)
      } else {
      }
      %mul3A_105 = arith.constant 2 : i32
      %mul3A_106 = arith.muli %scan3A_84, %mul3A_105 : i32
      %add3A_107 = arith.constant 1 : i32
      %add3A_108 = arith.addi %mul3A_106, %add3A_107 : i32
      %add3A_109 = arith.constant 2 : i32
      %add3A_110 = arith.addi %add3A_108, %add3A_109 : i32
      %sub3A_111 = arith.constant 1 : i32
      %sub3A_112 = arith.subi %add3A_110, %sub3A_111 : i32
      %lt3A_113 = arith.cmpi slt, %sub3A_112, %select_n3A : i32
      %convert_element_type3A_114 = arith.extui %lt3A_113 : i1 to i32
      %cond3A_115 = arith.constant 0 : i32
      %cond3A_116 = arith.cmpi ne, %convert_element_type3A_114, %cond3A_115 : i32
      scf.if %cond3A_116 {
        %dma_wait3A_127 = arith.constant 0 : i32
        %dma_wait3A_128 = arith.constant 0 : i32
        %dma_wait3A_129 = arith.constant 0 : i32
        %dma_wait3A_130 = tpu.memref_slice %arg4[%dma_wait3A_127, %dma_wait3A_128, %dma_wait3A_129] : memref<2528x1x128xi32, #tpu.memory_space<hbm>> -> memref<1x1x128xi32, #tpu.memory_space<hbm>>
        %dma_wait3A_131 = tpu.memref_squeeze %dma_wait3A_130 : memref<1x1x128xi32, #tpu.memory_space<hbm>> -> memref<1x128xi32, #tpu.memory_space<hbm>>
        %dma_wait3A_132 = arith.constant 0 : i32
        %dma_wait3A_133 = arith.constant 0 : i32
        %dma_wait3A_134 = tpu.memref_slice %arg4[%dma_wait3A_127, %dma_wait3A_132, %dma_wait3A_133] : memref<2528x1x128xi32, #tpu.memory_space<hbm>> -> memref<1x1x128xi32, #tpu.memory_space<hbm>>
        %dma_wait3A_135 = tpu.memref_squeeze %dma_wait3A_134 : memref<1x1x128xi32, #tpu.memory_space<hbm>> -> memref<1x128xi32, #tpu.memory_space<hbm>>
        tpu.wait_dma2 semaphore(%arg15 : memref<!tpu.dma_semaphore, #tpu.memory_space<semaphore_mem>>) src(%dma_wait3A_135 : memref<1x128xi32, #tpu.memory_space<hbm>>) dst(%arg9 : memref<1x128xi32, #tpu.memory_space<vmem>>)
        %dma_wait3A_136 = arith.constant 0 : i32
        %dma_wait3A_137 = arith.constant 0 : i32
        %dma_wait3A_138 = arith.constant 0 : i32
        %dma_wait3A_139 = tpu.memref_slice %arg3[%dma_wait3A_136, %dma_wait3A_137, %dma_wait3A_138] : memref<2528x1x128xi32, #tpu.memory_space<hbm>> -> memref<1x1x128xi32, #tpu.memory_space<hbm>>
        %dma_wait3A_140 = tpu.memref_squeeze %dma_wait3A_139 : memref<1x1x128xi32, #tpu.memory_space<hbm>> -> memref<1x128xi32, #tpu.memory_space<hbm>>
        %dma_wait3A_141 = arith.constant 0 : i32
        %dma_wait3A_142 = arith.constant 0 : i32
        %dma_wait3A_143 = tpu.memref_slice %arg3[%dma_wait3A_136, %dma_wait3A_141, %dma_wait3A_142] : memref<2528x1x128xi32, #tpu.memory_space<hbm>> -> memref<1x1x128xi32, #tpu.memory_space<hbm>>
        %dma_wait3A_144 = tpu.memref_squeeze %dma_wait3A_143 : memref<1x1x128xi32, #tpu.memory_space<hbm>> -> memref<1x128xi32, #tpu.memory_space<hbm>>
        tpu.wait_dma2 semaphore(%arg15 : memref<!tpu.dma_semaphore, #tpu.memory_space<semaphore_mem>>) src(%dma_wait3A_144 : memref<1x128xi32, #tpu.memory_space<hbm>>) dst(%arg7 : memref<1x128xi32, #tpu.memory_space<vmem>>)
        %dma_start3A_145 = arith.constant 0 : i32
        %dma_start3A_146 = arith.constant 0 : i32
        %dma_start3A_147 = tpu.memref_slice %arg7[%dma_start3A_145, %dma_start3A_146] : memref<1x128xi32, #tpu.memory_space<vmem>> -> memref<1x128xi32, #tpu.memory_space<vmem>>
        %dma_start3A_148 = tpu.memref_squeeze %dma_start3A_147 : memref<1x128xi32, #tpu.memory_space<vmem>> -> memref<128xi32, #tpu.memory_space<vmem>>
        %dma_start3A_149 = arith.constant 0 : i32
        %dma_start3A_150 = arith.constant 0 : i32
        %dma_start3A_151 = tpu.memref_slice %arg2[%dma_start3A_149, %dma_start3A_150] : memref<10000x128xf32, #tpu.memory_space<hbm>> -> memref<10000x128xf32, #tpu.memory_space<hbm>>
        tpu.enqueue_indirect_dma source(%dma_start3A_151 : memref<10000x128xf32, #tpu.memory_space<hbm>>) target(%arg11 : memref<128x128xf32, #tpu.memory_space<vmem>>) offsets(%dma_start3A_148 : memref<128xi32, #tpu.memory_space<vmem>>) semaphore(%arg13 : memref<!tpu.dma_semaphore, #tpu.memory_space<semaphore_mem>>)
      } else {
      }
      %lt3A_117 = arith.cmpi slt, %add3A_108, %select_n3A : i32
      %convert_element_type3A_118 = arith.extui %lt3A_117 : i1 to i32
      %cond3A_119 = arith.constant 0 : i32
      %cond3A_120 = arith.cmpi ne, %convert_element_type3A_118, %cond3A_119 : i32
      scf.if %cond3A_120 {
        %dma_wait3A_127 = arith.constant 0 : i32
        %dma_wait3A_128 = arith.constant 0 : i32
        %dma_wait3A_129 = tpu.memref_slice %arg8[%dma_wait3A_127, %dma_wait3A_128] : memref<1x128xi32, #tpu.memory_space<vmem>> -> memref<1x128xi32, #tpu.memory_space<vmem>>
        %dma_wait3A_130 = tpu.memref_squeeze %dma_wait3A_129 : memref<1x128xi32, #tpu.memory_space<vmem>> -> memref<128xi32, #tpu.memory_space<vmem>>
        %dma_wait3A_131 = arith.constant 0 : i32
        %dma_wait3A_132 = arith.constant 0 : i32
        %dma_wait3A_133 = tpu.memref_slice %arg2[%dma_wait3A_131, %dma_wait3A_132] : memref<10000x128xf32, #tpu.memory_space<hbm>> -> memref<10000x128xf32, #tpu.memory_space<hbm>>
        tpu.wait_indirect_dma semaphore(%arg14 : memref<!tpu.dma_semaphore, #tpu.memory_space<semaphore_mem>>) src(%dma_wait3A_133 : memref<10000x128xf32, #tpu.memory_space<hbm>>) dst(%arg12 : memref<128x128xf32, #tpu.memory_space<vmem>>)
        %run_scoped3A = arith.constant 0 : i32
        "tpu.region"() ({
          %run_scoped3A_134 = tpu.sem_alloc : memref<!tpu.dma_semaphore, #tpu.memory_space<semaphore_mem>>
          %dma_start3A_135 = arith.constant 0 : i32
          %dma_start3A_136 = tpu.memref_slice %arg10[%run_scoped3A, %dma_start3A_135] : memref<1x128xi32, #tpu.memory_space<vmem>> -> memref<1x128xi32, #tpu.memory_space<vmem>>
          %dma_start3A_137 = tpu.memref_squeeze %dma_start3A_136 : memref<1x128xi32, #tpu.memory_space<vmem>> -> memref<128xi32, #tpu.memory_space<vmem>>
          %dma_start3A_138 = arith.constant 0 : i32
          %dma_start3A_139 = arith.constant 0 : i32
          %dma_start3A_140 = tpu.memref_slice %arg6[%dma_start3A_138, %dma_start3A_139] : memref<10008x128xf32, #tpu.memory_space<vmem_shared>> -> memref<10008x128xf32, #tpu.memory_space<vmem_shared>>
          tpu.enqueue_indirect_dma source(%arg12 : memref<128x128xf32, #tpu.memory_space<vmem>>) target(%dma_start3A_140 : memref<10008x128xf32, #tpu.memory_space<vmem_shared>>) offsets(%dma_start3A_137 : memref<128xi32, #tpu.memory_space<vmem>>) semaphore(%run_scoped3A_134 : memref<!tpu.dma_semaphore, #tpu.memory_space<semaphore_mem>>) {add = true}
          %dma_wait3A_141 = arith.constant 0 : i32
          %dma_wait3A_142 = tpu.memref_slice %arg10[%run_scoped3A, %dma_wait3A_141] : memref<1x128xi32, #tpu.memory_space<vmem>> -> memref<1x128xi32, #tpu.memory_space<vmem>>
          %dma_wait3A_143 = tpu.memref_squeeze %dma_wait3A_142 : memref<1x128xi32, #tpu.memory_space<vmem>> -> memref<128xi32, #tpu.memory_space<vmem>>
          %dma_wait3A_144 = arith.constant 0 : i32
          %dma_wait3A_145 = arith.constant 0 : i32
          %dma_wait3A_146 = tpu.memref_slice %arg6[%dma_wait3A_144, %dma_wait3A_145] : memref<10008x128xf32, #tpu.memory_space<vmem_shared>> -> memref<10008x128xf32, #tpu.memory_space<vmem_shared>>
          tpu.wait_indirect_dma semaphore(%run_scoped3A_134 : memref<!tpu.dma_semaphore, #tpu.memory_space<semaphore_mem>>) src(%arg12 : memref<128x128xf32, #tpu.memory_space<vmem>>) dst(%dma_wait3A_146 : memref<10008x128xf32, #tpu.memory_space<vmem_shared>>)
          tpu.yield
        }) : () -> ()
      } else {
      }
      %add3A_121 = arith.constant 2 : i32
      %add3A_122 = arith.addi %add3A_108, %add3A_121 : i32
      %lt3A_123 = arith.cmpi slt, %add3A_122, %select_n3A : i32
      %convert_element_type3A_124 = arith.extui %lt3A_123 : i1 to i32
      %cond3A_125 = arith.constant 0 : i32
      %cond3A_126 = arith.cmpi ne, %convert_element_type3A_124, %cond3A_125 : i32
      scf.if %cond3A_126 {
        %add3A_127 = arith.addi %select_n3A_13, %add3A_108 : i32
        %add3A_128 = arith.constant 2 : i32
        %add3A_129 = arith.addi %add3A_127, %add3A_128 : i32
        %dma_start3A_130 = arith.constant 0 : i32
        %dma_start3A_131 = arith.constant 0 : i32
        %dma_start3A_132 = tpu.memref_slice %arg3[%add3A_129, %dma_start3A_130, %dma_start3A_131] : memref<2528x1x128xi32, #tpu.memory_space<hbm>> -> memref<1x1x128xi32, #tpu.memory_space<hbm>>
        %dma_start3A_133 = tpu.memref_squeeze %dma_start3A_132 : memref<1x1x128xi32, #tpu.memory_space<hbm>> -> memref<1x128xi32, #tpu.memory_space<hbm>>
        %dma_start3A_134 = arith.constant 0 : i32
        %dma_start3A_135 = arith.constant 0 : i32
        %dma_start3A_136 = tpu.memref_slice %arg3[%add3A_129, %dma_start3A_134, %dma_start3A_135] : memref<2528x1x128xi32, #tpu.memory_space<hbm>> -> memref<1x1x128xi32, #tpu.memory_space<hbm>>
        %dma_start3A_137 = tpu.memref_squeeze %dma_start3A_136 : memref<1x1x128xi32, #tpu.memory_space<hbm>> -> memref<1x128xi32, #tpu.memory_space<hbm>>
        tpu.enqueue_dma source(%dma_start3A_137 : memref<1x128xi32, #tpu.memory_space<hbm>>) target(%arg8 : memref<1x128xi32, #tpu.memory_space<vmem>>) target_semaphore(%arg16 : memref<!tpu.dma_semaphore, #tpu.memory_space<semaphore_mem>>)
        %dma_start3A_138 = arith.constant 0 : i32
        %dma_start3A_139 = arith.constant 0 : i32
        %dma_start3A_140 = tpu.memref_slice %arg4[%add3A_129, %dma_start3A_138, %dma_start3A_139] : memref<2528x1x128xi32, #tpu.memory_space<hbm>> -> memref<1x1x128xi32, #tpu.memory_space<hbm>>
        %dma_start3A_141 = tpu.memref_squeeze %dma_start3A_140 : memref<1x1x128xi32, #tpu.memory_space<hbm>> -> memref<1x128xi32, #tpu.memory_space<hbm>>
        %dma_start3A_142 = arith.constant 0 : i32
        %dma_start3A_143 = arith.constant 0 : i32
        %dma_start3A_144 = tpu.memref_slice %arg4[%add3A_129, %dma_start3A_142, %dma_start3A_143] : memref<2528x1x128xi32, #tpu.memory_space<hbm>> -> memref<1x1x128xi32, #tpu.memory_space<hbm>>
        %dma_start3A_145 = tpu.memref_squeeze %dma_start3A_144 : memref<1x1x128xi32, #tpu.memory_space<hbm>> -> memref<1x128xi32, #tpu.memory_space<hbm>>
        tpu.enqueue_dma source(%dma_start3A_145 : memref<1x128xi32, #tpu.memory_space<hbm>>) target(%arg10 : memref<1x128xi32, #tpu.memory_space<vmem>>) target_semaphore(%arg16 : memref<!tpu.dma_semaphore, #tpu.memory_space<semaphore_mem>>)
      } else {
      }
    }
    %scan3A_77 = arith.constant 69 : i32
    %barrier3A_78 = arith.constant 0 : index
    tpu.barrier barrier_id(%barrier3A_78)
    "tpu.region"() ({
      %run_scoped3A = tpu.sem_alloc : memref<!tpu.dma_semaphore, #tpu.memory_space<semaphore_mem>>
      %dma_start3A_84 = arith.constant 0 : i32
      %dma_start3A_85 = arith.constant 0 : i32
      %dma_start3A_86 = tpu.memref_slice %arg5[%arg0, %dma_start3A_84, %dma_start3A_85] : memref<2x10000x128xf32, #tpu.memory_space<hbm>> -> memref<1x10000x128xf32, #tpu.memory_space<hbm>>
      %dma_start3A_87 = tpu.memref_squeeze %dma_start3A_86 : memref<1x10000x128xf32, #tpu.memory_space<hbm>> -> memref<10000x128xf32, #tpu.memory_space<hbm>>
      %dma_start3A_88 = arith.constant 0 : i32
      %dma_start3A_89 = tpu.memref_slice %dma_start3A_87[%mul3A_2, %dma_start3A_88] : memref<10000x128xf32, #tpu.memory_space<hbm>> -> memref<624x128xf32, #tpu.memory_space<hbm>>
      %dma_start3A_90 = arith.constant 0 : i32
      %dma_start3A_91 = tpu.memref_slice %arg6[%mul3A_2, %dma_start3A_90] : memref<10008x128xf32, #tpu.memory_space<vmem_shared>> -> memref<624x128xf32, #tpu.memory_space<vmem_shared>>
      tpu.enqueue_dma source(%dma_start3A_91 : memref<624x128xf32, #tpu.memory_space<vmem_shared>>) target(%dma_start3A_89 : memref<624x128xf32, #tpu.memory_space<hbm>>) target_semaphore(%run_scoped3A : memref<!tpu.dma_semaphore, #tpu.memory_space<semaphore_mem>>)
      %dma_wait3A_92 = arith.constant 0 : i32
      %dma_wait3A_93 = arith.constant 0 : i32
      %dma_wait3A_94 = tpu.memref_slice %arg5[%arg0, %dma_wait3A_92, %dma_wait3A_93] : memref<2x10000x128xf32, #tpu.memory_space<hbm>> -> memref<1x10000x128xf32, #tpu.memory_space<hbm>>
      %dma_wait3A_95 = tpu.memref_squeeze %dma_wait3A_94 : memref<1x10000x128xf32, #tpu.memory_space<hbm>> -> memref<10000x128xf32, #tpu.memory_space<hbm>>
      %dma_wait3A_96 = arith.constant 0 : i32
      %dma_wait3A_97 = tpu.memref_slice %dma_wait3A_95[%mul3A_2, %dma_wait3A_96] : memref<10000x128xf32, #tpu.memory_space<hbm>> -> memref<624x128xf32, #tpu.memory_space<hbm>>
      %dma_wait3A_98 = arith.constant 0 : i32
      %dma_wait3A_99 = tpu.memref_slice %arg6[%mul3A_2, %dma_wait3A_98] : memref<10008x128xf32, #tpu.memory_space<vmem_shared>> -> memref<624x128xf32, #tpu.memory_space<vmem_shared>>
      tpu.wait_dma2 semaphore(%run_scoped3A : memref<!tpu.dma_semaphore, #tpu.memory_space<semaphore_mem>>) src(%dma_wait3A_99 : memref<624x128xf32, #tpu.memory_space<vmem_shared>>) dst(%dma_wait3A_97 : memref<624x128xf32, #tpu.memory_space<hbm>>)
      tpu.yield
    }) : () -> ()
    %eq3A_79 = arith.constant 15 : i32
    %eq3A_80 = arith.cmpi eq, %arg1, %eq3A_79 : i32
    %convert_element_type3A_81 = arith.extui %eq3A_80 : i1 to i32
    %cond3A_82 = arith.constant 0 : i32
    %cond3A_83 = arith.cmpi ne, %convert_element_type3A_81, %cond3A_82 : i32
    scf.if %cond3A_83 {
      "tpu.region"() ({
        %run_scoped3A = tpu.sem_alloc : memref<!tpu.dma_semaphore, #tpu.memory_space<semaphore_mem>>
        %dma_start3A_84 = arith.constant 0 : i32
        %dma_start3A_85 = arith.constant 0 : i32
        %dma_start3A_86 = tpu.memref_slice %arg5[%arg0, %dma_start3A_84, %dma_start3A_85] : memref<2x10000x128xf32, #tpu.memory_space<hbm>> -> memref<1x10000x128xf32, #tpu.memory_space<hbm>>
        %dma_start3A_87 = tpu.memref_squeeze %dma_start3A_86 : memref<1x10000x128xf32, #tpu.memory_space<hbm>> -> memref<10000x128xf32, #tpu.memory_space<hbm>>
        %dma_start3A_88 = arith.constant 9984 : i32
        %dma_start3A_89 = arith.constant 0 : i32
        %dma_start3A_90 = tpu.memref_slice %dma_start3A_87[%dma_start3A_88, %dma_start3A_89] : memref<10000x128xf32, #tpu.memory_space<hbm>> -> memref<16x128xf32, #tpu.memory_space<hbm>>
        %dma_start3A_91 = arith.constant 9984 : i32
        %dma_start3A_92 = arith.constant 0 : i32
        %dma_start3A_93 = tpu.memref_slice %arg6[%dma_start3A_91, %dma_start3A_92] : memref<10008x128xf32, #tpu.memory_space<vmem_shared>> -> memref<16x128xf32, #tpu.memory_space<vmem_shared>>
        tpu.enqueue_dma source(%dma_start3A_93 : memref<16x128xf32, #tpu.memory_space<vmem_shared>>) target(%dma_start3A_90 : memref<16x128xf32, #tpu.memory_space<hbm>>) target_semaphore(%run_scoped3A : memref<!tpu.dma_semaphore, #tpu.memory_space<semaphore_mem>>)
        %dma_wait3A_94 = arith.constant 0 : i32
        %dma_wait3A_95 = arith.constant 0 : i32
        %dma_wait3A_96 = tpu.memref_slice %arg5[%arg0, %dma_wait3A_94, %dma_wait3A_95] : memref<2x10000x128xf32, #tpu.memory_space<hbm>> -> memref<1x10000x128xf32, #tpu.memory_space<hbm>>
        %dma_wait3A_97 = tpu.memref_squeeze %dma_wait3A_96 : memref<1x10000x128xf32, #tpu.memory_space<hbm>> -> memref<10000x128xf32, #tpu.memory_space<hbm>>
        %dma_wait3A_98 = arith.constant 9984 : i32
        %dma_wait3A_99 = arith.constant 0 : i32
        %dma_wait3A_100 = tpu.memref_slice %dma_wait3A_97[%dma_wait3A_98, %dma_wait3A_99] : memref<10000x128xf32, #tpu.memory_space<hbm>> -> memref<16x128xf32, #tpu.memory_space<hbm>>
        %dma_wait3A_101 = arith.constant 9984 : i32
        %dma_wait3A_102 = arith.constant 0 : i32
        %dma_wait3A_103 = tpu.memref_slice %arg6[%dma_wait3A_101, %dma_wait3A_102] : memref<10008x128xf32, #tpu.memory_space<vmem_shared>> -> memref<16x128xf32, #tpu.memory_space<vmem_shared>>
        tpu.wait_dma2 semaphore(%run_scoped3A : memref<!tpu.dma_semaphore, #tpu.memory_space<semaphore_mem>>) src(%dma_wait3A_103 : memref<16x128xf32, #tpu.memory_space<vmem_shared>>) dst(%dma_wait3A_100 : memref<16x128xf32, #tpu.memory_space<hbm>>)
        tpu.yield
      }) : () -> ()
    } else {
    }
    return
  }
}

module attributes {stable_mosaic.version = 14 : i64} {
  func.func @_mlp_body(%arg0: memref<2x10000x128xf32, #tpu.memory_space<vmem>>, %arg1: memref<10000x128xf32, #tpu.memory_space<vmem>>, %arg2: memref<128x128xf32, #tpu.memory_space<vmem>>, %arg3: memref<1x128xf32, #tpu.memory_space<vmem>>, %arg4: memref<1x128xf32, #tpu.memory_space<vmem>>, %arg5: memref<1x128xf32, #tpu.memory_space<vmem>>, %arg6: memref<128x128xf32, #tpu.memory_space<vmem>>, %arg7: memref<1x128xf32, #tpu.memory_space<vmem>>, %arg8: memref<1x128xf32, #tpu.memory_space<vmem>>, %arg9: memref<1x128xf32, #tpu.memory_space<vmem>>, %arg10: memref<10000x128xf32, #tpu.memory_space<vmem>>) attributes {dimension_semantics = [], scalar_prefetch = 0 : i64, scratch_operands = 0 : i64, tpu.core_type = #tpu.core_type<tc>} {
    %get3A = arith.constant 0 : index
    %get3A_0 = arith.constant 0 : index
    %get3A_1 = arith.constant 0 : index
    %get3A_2 = vector.load %arg0[%get3A, %get3A_0, %get3A_1] : memref<2x10000x128xf32, #tpu.memory_space<vmem>>, vector<1x10000x128xf32>
    %get3A_3 = vector.shape_cast %get3A_2 : vector<1x10000x128xf32> to vector<10000x128xf32>
    %get3A_4 = arith.constant 1 : index
    %get3A_5 = arith.constant 0 : index
    %get3A_6 = arith.constant 0 : index
    %get3A_7 = vector.load %arg0[%get3A_4, %get3A_5, %get3A_6] : memref<2x10000x128xf32, #tpu.memory_space<vmem>>, vector<1x10000x128xf32>
    %get3A_8 = vector.shape_cast %get3A_7 : vector<1x10000x128xf32> to vector<10000x128xf32>
    %add3A = arith.addf %get3A_3, %get3A_8 : vector<10000x128xf32>
    %get3A_9 = arith.constant 0 : index
    %get3A_10 = arith.constant 0 : index
    %get3A_11 = vector.load %arg1[%get3A_9, %get3A_10] : memref<10000x128xf32, #tpu.memory_space<vmem>>, vector<10000x128xf32>
    %sub3A = arith.subf %add3A, %get3A_11 : vector<10000x128xf32>
    %get3A_12 = arith.constant 0 : index
    %get3A_13 = arith.constant 0 : index
    %get3A_14 = vector.load %arg2[%get3A_12, %get3A_13] : memref<128x128xf32, #tpu.memory_space<vmem>>, vector<128x128xf32>
    %dot_general3A = arith.constant dense<0.000000e+00> : vector<10000x128xf32>
    %dot_general3A_15 = tpu.matmul %sub3A, %get3A_14, %dot_general3A {dimension_numbers = #tpu.dot_dimension_numbers<[1], [1], [0], [0], [0, 0, 1, 0], [], []>, transpose_lhs_hint = false} : vector<10000x128xf32>, vector<128x128xf32>, vector<10000x128xf32> -> vector<10000x128xf32>
    %get3A_16 = arith.constant 0 : index
    %get3A_17 = arith.constant 0 : index
    %get3A_18 = vector.load %arg3[%get3A_16, %get3A_17] : memref<1x128xf32, #tpu.memory_space<vmem>>, vector<1x128xf32>
    %add3A_19 = vector.broadcast %get3A_18 : vector<1x128xf32> to vector<10000x128xf32>
    %add3A_20 = arith.addf %dot_general3A_15, %add3A_19 : vector<10000x128xf32>
    %reduce_sum3A = arith.constant dense<0.000000e+00> : vector<128xf32>
    %reduce_sum3A_21 = vector.multi_reduction <add>, %add3A_20, %reduce_sum3A [0] : vector<10000x128xf32> to vector<128xf32>
    %broadcast_in_dim3A = vector.shape_cast %reduce_sum3A_21 : vector<128xf32> to vector<1x128xf32>
    %div3A = arith.constant 1.000000e+04 : f32
    %div3A_22 = vector.broadcast %div3A : f32 to vector<1x128xf32>
    %div3A_23 = arith.divf %broadcast_in_dim3A, %div3A_22 : vector<1x128xf32>
    %sub3A_24 = vector.broadcast %div3A_23 : vector<1x128xf32> to vector<10000x128xf32>
    %sub3A_25 = arith.subf %add3A_20, %sub3A_24 : vector<10000x128xf32>
    %sub3A_26 = vector.broadcast %div3A_23 : vector<1x128xf32> to vector<10000x128xf32>
    %sub3A_27 = arith.subf %add3A_20, %sub3A_26 : vector<10000x128xf32>
    %mul3A = arith.mulf %sub3A_25, %sub3A_27 : vector<10000x128xf32>
    %reduce_sum3A_28 = arith.constant dense<0.000000e+00> : vector<128xf32>
    %reduce_sum3A_29 = vector.multi_reduction <add>, %mul3A, %reduce_sum3A_28 [0] : vector<10000x128xf32> to vector<128xf32>
    %broadcast_in_dim3A_30 = vector.shape_cast %reduce_sum3A_29 : vector<128xf32> to vector<1x128xf32>
    %div3A_31 = arith.constant 1.000000e+04 : f32
    %div3A_32 = vector.broadcast %div3A_31 : f32 to vector<1x128xf32>
    %div3A_33 = arith.divf %broadcast_in_dim3A_30, %div3A_32 : vector<1x128xf32>
    %get3A_34 = arith.constant 0 : index
    %get3A_35 = arith.constant 0 : index
    %get3A_36 = vector.load %arg4[%get3A_34, %get3A_35] : memref<1x128xf32, #tpu.memory_space<vmem>>, vector<1x128xf32>
    %sub3A_37 = vector.broadcast %div3A_23 : vector<1x128xf32> to vector<10000x128xf32>
    %sub3A_38 = arith.subf %add3A_20, %sub3A_37 : vector<10000x128xf32>
    %mul3A_39 = vector.broadcast %get3A_36 : vector<1x128xf32> to vector<10000x128xf32>
    %mul3A_40 = arith.mulf %mul3A_39, %sub3A_38 : vector<10000x128xf32>
    %add3A_41 = arith.constant 9.99999974E-6 : f32
    %add3A_42 = vector.broadcast %add3A_41 : f32 to vector<1x128xf32>
    %add3A_43 = arith.addf %div3A_33, %add3A_42 : vector<1x128xf32>
    %sqrt3A = math.sqrt %add3A_43 : vector<1x128xf32>
    %div3A_44 = vector.broadcast %sqrt3A : vector<1x128xf32> to vector<10000x128xf32>
    %div3A_45 = arith.divf %mul3A_40, %div3A_44 : vector<10000x128xf32>
    %get3A_46 = arith.constant 0 : index
    %get3A_47 = arith.constant 0 : index
    %get3A_48 = vector.load %arg5[%get3A_46, %get3A_47] : memref<1x128xf32, #tpu.memory_space<vmem>>, vector<1x128xf32>
    %add3A_49 = vector.broadcast %get3A_48 : vector<1x128xf32> to vector<10000x128xf32>
    %add3A_50 = arith.addf %div3A_45, %add3A_49 : vector<10000x128xf32>
    %max3A = arith.constant 0.000000e+00 : f32
    %max3A_51 = vector.broadcast %max3A : f32 to vector<10000x128xf32>
    %max3A_52 = arith.maximumf %add3A_50, %max3A_51 : vector<10000x128xf32>
    %get3A_53 = arith.constant 0 : index
    %get3A_54 = arith.constant 0 : index
    %get3A_55 = vector.load %arg6[%get3A_53, %get3A_54] : memref<128x128xf32, #tpu.memory_space<vmem>>, vector<128x128xf32>
    %dot_general3A_56 = arith.constant dense<0.000000e+00> : vector<10000x128xf32>
    %dot_general3A_57 = tpu.matmul %max3A_52, %get3A_55, %dot_general3A_56 {dimension_numbers = #tpu.dot_dimension_numbers<[1], [1], [0], [0], [0, 0, 1, 0], [], []>, transpose_lhs_hint = false} : vector<10000x128xf32>, vector<128x128xf32>, vector<10000x128xf32> -> vector<10000x128xf32>
    %get3A_58 = arith.constant 0 : index
    %get3A_59 = arith.constant 0 : index
    %get3A_60 = vector.load %arg7[%get3A_58, %get3A_59] : memref<1x128xf32, #tpu.memory_space<vmem>>, vector<1x128xf32>
    %add3A_61 = vector.broadcast %get3A_60 : vector<1x128xf32> to vector<10000x128xf32>
    %add3A_62 = arith.addf %dot_general3A_57, %add3A_61 : vector<10000x128xf32>
    %reduce_sum3A_63 = arith.constant dense<0.000000e+00> : vector<128xf32>
    %reduce_sum3A_64 = vector.multi_reduction <add>, %add3A_62, %reduce_sum3A_63 [0] : vector<10000x128xf32> to vector<128xf32>
    %broadcast_in_dim3A_65 = vector.shape_cast %reduce_sum3A_64 : vector<128xf32> to vector<1x128xf32>
    %div3A_66 = arith.constant 1.000000e+04 : f32
    %div3A_67 = vector.broadcast %div3A_66 : f32 to vector<1x128xf32>
    %div3A_68 = arith.divf %broadcast_in_dim3A_65, %div3A_67 : vector<1x128xf32>
    %sub3A_69 = vector.broadcast %div3A_68 : vector<1x128xf32> to vector<10000x128xf32>
    %sub3A_70 = arith.subf %add3A_62, %sub3A_69 : vector<10000x128xf32>
    %sub3A_71 = vector.broadcast %div3A_68 : vector<1x128xf32> to vector<10000x128xf32>
    %sub3A_72 = arith.subf %add3A_62, %sub3A_71 : vector<10000x128xf32>
    %mul3A_73 = arith.mulf %sub3A_70, %sub3A_72 : vector<10000x128xf32>
    %reduce_sum3A_74 = arith.constant dense<0.000000e+00> : vector<128xf32>
    %reduce_sum3A_75 = vector.multi_reduction <add>, %mul3A_73, %reduce_sum3A_74 [0] : vector<10000x128xf32> to vector<128xf32>
    %broadcast_in_dim3A_76 = vector.shape_cast %reduce_sum3A_75 : vector<128xf32> to vector<1x128xf32>
    %div3A_77 = arith.constant 1.000000e+04 : f32
    %div3A_78 = vector.broadcast %div3A_77 : f32 to vector<1x128xf32>
    %div3A_79 = arith.divf %broadcast_in_dim3A_76, %div3A_78 : vector<1x128xf32>
    %get3A_80 = arith.constant 0 : index
    %get3A_81 = arith.constant 0 : index
    %get3A_82 = vector.load %arg8[%get3A_80, %get3A_81] : memref<1x128xf32, #tpu.memory_space<vmem>>, vector<1x128xf32>
    %sub3A_83 = vector.broadcast %div3A_68 : vector<1x128xf32> to vector<10000x128xf32>
    %sub3A_84 = arith.subf %add3A_62, %sub3A_83 : vector<10000x128xf32>
    %mul3A_85 = vector.broadcast %get3A_82 : vector<1x128xf32> to vector<10000x128xf32>
    %mul3A_86 = arith.mulf %mul3A_85, %sub3A_84 : vector<10000x128xf32>
    %add3A_87 = arith.constant 9.99999974E-6 : f32
    %add3A_88 = vector.broadcast %add3A_87 : f32 to vector<1x128xf32>
    %add3A_89 = arith.addf %div3A_79, %add3A_88 : vector<1x128xf32>
    %sqrt3A_90 = math.sqrt %add3A_89 : vector<1x128xf32>
    %div3A_91 = vector.broadcast %sqrt3A_90 : vector<1x128xf32> to vector<10000x128xf32>
    %div3A_92 = arith.divf %mul3A_86, %div3A_91 : vector<10000x128xf32>
    %get3A_93 = arith.constant 0 : index
    %get3A_94 = arith.constant 0 : index
    %get3A_95 = vector.load %arg9[%get3A_93, %get3A_94] : memref<1x128xf32, #tpu.memory_space<vmem>>, vector<1x128xf32>
    %add3A_96 = vector.broadcast %get3A_95 : vector<1x128xf32> to vector<10000x128xf32>
    %add3A_97 = arith.addf %div3A_92, %add3A_96 : vector<10000x128xf32>
    %max3A_98 = arith.constant 0.000000e+00 : f32
    %max3A_99 = vector.broadcast %max3A_98 : f32 to vector<10000x128xf32>
    %max3A_100 = arith.maximumf %add3A_97, %max3A_99 : vector<10000x128xf32>
    %swap3A = arith.constant 0 : index
    %swap3A_101 = arith.constant 0 : index
    %swap3A_102 = vector.load %arg10[%swap3A, %swap3A_101] : memref<10000x128xf32, #tpu.memory_space<vmem>>, vector<10000x128xf32>
    tpu.vector_store %arg10[%swap3A, %swap3A_101], %max3A_100 {strides = array<i32>} : memref<10000x128xf32, #tpu.memory_space<vmem>>, vector<10000x128xf32>,
    return
  }
}

module attributes {stable_mosaic.version = 14 : i64} {
  func.func @_mlp_body(%arg0: memref<2x10000x128xf32, #tpu.memory_space<vmem>>, %arg1: memref<10000x128xf32, #tpu.memory_space<vmem>>, %arg2: memref<128x128xf32, #tpu.memory_space<vmem>>, %arg3: memref<1x128xf32, #tpu.memory_space<vmem>>, %arg4: memref<1x128xf32, #tpu.memory_space<vmem>>, %arg5: memref<1x128xf32, #tpu.memory_space<vmem>>, %arg6: memref<64x128xf32, #tpu.memory_space<vmem>>, %arg7: memref<1x64xf32, #tpu.memory_space<vmem>>, %arg8: memref<1x64xf32, #tpu.memory_space<vmem>>, %arg9: memref<1x64xf32, #tpu.memory_space<vmem>>, %arg10: memref<10000x64xf32, #tpu.memory_space<vmem>>) attributes {dimension_semantics = [], scalar_prefetch = 0 : i64, scratch_operands = 0 : i64, tpu.core_type = #tpu.core_type<tc>} {
    %get3A = arith.constant 0 : index
    %get3A_0 = arith.constant 0 : index
    %get3A_1 = arith.constant 0 : index
    %get3A_2 = vector.load %arg0[%get3A, %get3A_0, %get3A_1] : memref<2x10000x128xf32, #tpu.memory_space<vmem>>, vector<1x10000x128xf32>
    %get3A_3 = vector.shape_cast %get3A_2 : vector<1x10000x128xf32> to vector<10000x128xf32>
    %get3A_4 = arith.constant 1 : index
    %get3A_5 = arith.constant 0 : index
    %get3A_6 = arith.constant 0 : index
    %get3A_7 = vector.load %arg0[%get3A_4, %get3A_5, %get3A_6] : memref<2x10000x128xf32, #tpu.memory_space<vmem>>, vector<1x10000x128xf32>
    %get3A_8 = vector.shape_cast %get3A_7 : vector<1x10000x128xf32> to vector<10000x128xf32>
    %add3A = arith.addf %get3A_3, %get3A_8 : vector<10000x128xf32>
    %get3A_9 = arith.constant 0 : index
    %get3A_10 = arith.constant 0 : index
    %get3A_11 = vector.load %arg1[%get3A_9, %get3A_10] : memref<10000x128xf32, #tpu.memory_space<vmem>>, vector<10000x128xf32>
    %sub3A = arith.subf %add3A, %get3A_11 : vector<10000x128xf32>
    %get3A_12 = arith.constant 0 : index
    %get3A_13 = arith.constant 0 : index
    %get3A_14 = vector.load %arg2[%get3A_12, %get3A_13] : memref<128x128xf32, #tpu.memory_space<vmem>>, vector<128x128xf32>
    %dot_general3A = arith.constant dense<0.000000e+00> : vector<10000x128xf32>
    %dot_general3A_15 = tpu.matmul %sub3A, %get3A_14, %dot_general3A {dimension_numbers = #tpu.dot_dimension_numbers<[1], [1], [0], [0], [0, 0, 1, 0], [], []>, transpose_lhs_hint = false} : vector<10000x128xf32>, vector<128x128xf32>, vector<10000x128xf32> -> vector<10000x128xf32>
    %get3A_16 = arith.constant 0 : index
    %get3A_17 = arith.constant 0 : index
    %get3A_18 = vector.load %arg3[%get3A_16, %get3A_17] : memref<1x128xf32, #tpu.memory_space<vmem>>, vector<1x128xf32>
    %add3A_19 = vector.broadcast %get3A_18 : vector<1x128xf32> to vector<10000x128xf32>
    %add3A_20 = arith.addf %dot_general3A_15, %add3A_19 : vector<10000x128xf32>
    %reduce_sum3A = arith.constant dense<0.000000e+00> : vector<128xf32>
    %reduce_sum3A_21 = vector.multi_reduction <add>, %add3A_20, %reduce_sum3A [0] : vector<10000x128xf32> to vector<128xf32>
    %broadcast_in_dim3A = vector.shape_cast %reduce_sum3A_21 : vector<128xf32> to vector<1x128xf32>
    %div3A = arith.constant 1.000000e+04 : f32
    %div3A_22 = vector.broadcast %div3A : f32 to vector<1x128xf32>
    %div3A_23 = arith.divf %broadcast_in_dim3A, %div3A_22 : vector<1x128xf32>
    %sub3A_24 = vector.broadcast %div3A_23 : vector<1x128xf32> to vector<10000x128xf32>
    %sub3A_25 = arith.subf %add3A_20, %sub3A_24 : vector<10000x128xf32>
    %sub3A_26 = vector.broadcast %div3A_23 : vector<1x128xf32> to vector<10000x128xf32>
    %sub3A_27 = arith.subf %add3A_20, %sub3A_26 : vector<10000x128xf32>
    %mul3A = arith.mulf %sub3A_25, %sub3A_27 : vector<10000x128xf32>
    %reduce_sum3A_28 = arith.constant dense<0.000000e+00> : vector<128xf32>
    %reduce_sum3A_29 = vector.multi_reduction <add>, %mul3A, %reduce_sum3A_28 [0] : vector<10000x128xf32> to vector<128xf32>
    %broadcast_in_dim3A_30 = vector.shape_cast %reduce_sum3A_29 : vector<128xf32> to vector<1x128xf32>
    %div3A_31 = arith.constant 1.000000e+04 : f32
    %div3A_32 = vector.broadcast %div3A_31 : f32 to vector<1x128xf32>
    %div3A_33 = arith.divf %broadcast_in_dim3A_30, %div3A_32 : vector<1x128xf32>
    %get3A_34 = arith.constant 0 : index
    %get3A_35 = arith.constant 0 : index
    %get3A_36 = vector.load %arg4[%get3A_34, %get3A_35] : memref<1x128xf32, #tpu.memory_space<vmem>>, vector<1x128xf32>
    %sub3A_37 = vector.broadcast %div3A_23 : vector<1x128xf32> to vector<10000x128xf32>
    %sub3A_38 = arith.subf %add3A_20, %sub3A_37 : vector<10000x128xf32>
    %mul3A_39 = vector.broadcast %get3A_36 : vector<1x128xf32> to vector<10000x128xf32>
    %mul3A_40 = arith.mulf %mul3A_39, %sub3A_38 : vector<10000x128xf32>
    %add3A_41 = arith.constant 9.99999974E-6 : f32
    %add3A_42 = vector.broadcast %add3A_41 : f32 to vector<1x128xf32>
    %add3A_43 = arith.addf %div3A_33, %add3A_42 : vector<1x128xf32>
    %sqrt3A = math.sqrt %add3A_43 : vector<1x128xf32>
    %div3A_44 = vector.broadcast %sqrt3A : vector<1x128xf32> to vector<10000x128xf32>
    %div3A_45 = arith.divf %mul3A_40, %div3A_44 : vector<10000x128xf32>
    %get3A_46 = arith.constant 0 : index
    %get3A_47 = arith.constant 0 : index
    %get3A_48 = vector.load %arg5[%get3A_46, %get3A_47] : memref<1x128xf32, #tpu.memory_space<vmem>>, vector<1x128xf32>
    %add3A_49 = vector.broadcast %get3A_48 : vector<1x128xf32> to vector<10000x128xf32>
    %add3A_50 = arith.addf %div3A_45, %add3A_49 : vector<10000x128xf32>
    %max3A = arith.constant 0.000000e+00 : f32
    %max3A_51 = vector.broadcast %max3A : f32 to vector<10000x128xf32>
    %max3A_52 = arith.maximumf %add3A_50, %max3A_51 : vector<10000x128xf32>
    %get3A_53 = arith.constant 0 : index
    %get3A_54 = arith.constant 0 : index
    %get3A_55 = vector.load %arg6[%get3A_53, %get3A_54] : memref<64x128xf32, #tpu.memory_space<vmem>>, vector<64x128xf32>
    %dot_general3A_56 = arith.constant dense<0.000000e+00> : vector<10000x64xf32>
    %dot_general3A_57 = tpu.matmul %max3A_52, %get3A_55, %dot_general3A_56 {dimension_numbers = #tpu.dot_dimension_numbers<[1], [1], [0], [0], [0, 0, 1, 0], [], []>, transpose_lhs_hint = false} : vector<10000x128xf32>, vector<64x128xf32>, vector<10000x64xf32> -> vector<10000x64xf32>
    %get3A_58 = arith.constant 0 : index
    %get3A_59 = arith.constant 0 : index
    %get3A_60 = vector.load %arg7[%get3A_58, %get3A_59] : memref<1x64xf32, #tpu.memory_space<vmem>>, vector<1x64xf32>
    %add3A_61 = vector.broadcast %get3A_60 : vector<1x64xf32> to vector<10000x64xf32>
    %add3A_62 = arith.addf %dot_general3A_57, %add3A_61 : vector<10000x64xf32>
    %reduce_sum3A_63 = arith.constant dense<0.000000e+00> : vector<64xf32>
    %reduce_sum3A_64 = vector.multi_reduction <add>, %add3A_62, %reduce_sum3A_63 [0] : vector<10000x64xf32> to vector<64xf32>
    %broadcast_in_dim3A_65 = vector.shape_cast %reduce_sum3A_64 : vector<64xf32> to vector<1x64xf32>
    %div3A_66 = arith.constant 1.000000e+04 : f32
    %div3A_67 = vector.broadcast %div3A_66 : f32 to vector<1x64xf32>
    %div3A_68 = arith.divf %broadcast_in_dim3A_65, %div3A_67 : vector<1x64xf32>
    %sub3A_69 = vector.broadcast %div3A_68 : vector<1x64xf32> to vector<10000x64xf32>
    %sub3A_70 = arith.subf %add3A_62, %sub3A_69 : vector<10000x64xf32>
    %sub3A_71 = vector.broadcast %div3A_68 : vector<1x64xf32> to vector<10000x64xf32>
    %sub3A_72 = arith.subf %add3A_62, %sub3A_71 : vector<10000x64xf32>
    %mul3A_73 = arith.mulf %sub3A_70, %sub3A_72 : vector<10000x64xf32>
    %reduce_sum3A_74 = arith.constant dense<0.000000e+00> : vector<64xf32>
    %reduce_sum3A_75 = vector.multi_reduction <add>, %mul3A_73, %reduce_sum3A_74 [0] : vector<10000x64xf32> to vector<64xf32>
    %broadcast_in_dim3A_76 = vector.shape_cast %reduce_sum3A_75 : vector<64xf32> to vector<1x64xf32>
    %div3A_77 = arith.constant 1.000000e+04 : f32
    %div3A_78 = vector.broadcast %div3A_77 : f32 to vector<1x64xf32>
    %div3A_79 = arith.divf %broadcast_in_dim3A_76, %div3A_78 : vector<1x64xf32>
    %get3A_80 = arith.constant 0 : index
    %get3A_81 = arith.constant 0 : index
    %get3A_82 = vector.load %arg8[%get3A_80, %get3A_81] : memref<1x64xf32, #tpu.memory_space<vmem>>, vector<1x64xf32>
    %sub3A_83 = vector.broadcast %div3A_68 : vector<1x64xf32> to vector<10000x64xf32>
    %sub3A_84 = arith.subf %add3A_62, %sub3A_83 : vector<10000x64xf32>
    %mul3A_85 = vector.broadcast %get3A_82 : vector<1x64xf32> to vector<10000x64xf32>
    %mul3A_86 = arith.mulf %mul3A_85, %sub3A_84 : vector<10000x64xf32>
    %add3A_87 = arith.constant 9.99999974E-6 : f32
    %add3A_88 = vector.broadcast %add3A_87 : f32 to vector<1x64xf32>
    %add3A_89 = arith.addf %div3A_79, %add3A_88 : vector<1x64xf32>
    %sqrt3A_90 = math.sqrt %add3A_89 : vector<1x64xf32>
    %div3A_91 = vector.broadcast %sqrt3A_90 : vector<1x64xf32> to vector<10000x64xf32>
    %div3A_92 = arith.divf %mul3A_86, %div3A_91 : vector<10000x64xf32>
    %get3A_93 = arith.constant 0 : index
    %get3A_94 = arith.constant 0 : index
    %get3A_95 = vector.load %arg9[%get3A_93, %get3A_94] : memref<1x64xf32, #tpu.memory_space<vmem>>, vector<1x64xf32>
    %add3A_96 = vector.broadcast %get3A_95 : vector<1x64xf32> to vector<10000x64xf32>
    %add3A_97 = arith.addf %div3A_92, %add3A_96 : vector<10000x64xf32>
    %swap3A = arith.constant 0 : index
    %swap3A_98 = arith.constant 0 : index
    %swap3A_99 = vector.load %arg10[%swap3A, %swap3A_98] : memref<10000x64xf32, #tpu.memory_space<vmem>>, vector<10000x64xf32>
    tpu.vector_store %arg10[%swap3A, %swap3A_98], %add3A_97 {strides = array<i32>} : memref<10000x64xf32, #tpu.memory_space<vmem>>, vector<10000x64xf32>,
    return
  }
}

</mosaic_0001>

<sc_bundles>
// kernel: kernel.6.cloned.1.call-start
scs
__scs_entry_jumppad:
0x0: {  	(pc) =	sbr.rel $0x88, $3  }
0x1: {  	(tag) =	ssettag $0x0;
	lr =	simm.s32 $0x1  }
0x2: {  	[smem:$0x3F8F] =	sst lr;
	_ =	strace $0xD0000000  }
0x3: {  	_ = 	snop  }
0x4: {  	_ = 	snop  }
0x5: {  	_ = 	snop  }
0x6: {  	_ = 	snop  }
0x7: {  	_ = 	snop  }
__scs_overlays_trampoline_lowered:
0x8: {  	[smem:$0x3F9E] =	sst s0  }
0x9: {  	[smem:$0x3F9F] =	sst s1  }
0xa: {  	[smem:$0x3FA0] =	sst s2  }
0xb: {  	[smem:$0x3FA1] =	sst s3  }
0xc: {  	[smem:$0x3FA2] =	sst s4  }
0xd: {  	[smem:$0x3FA3] =	sst s5  }
0xe: {  	[smem:$0x3FA4] =	sst s6  }
0xf: {  	[smem:$0x3FA5] =	sst s7  }
0x10: {  	[smem:$0x3FA6] =	sst s8  }
0x11: {  	[smem:$0x3FA7] =	sst s9;
	s0 =	simm.s32 @!p0 $0x0  }
0x12: {  	s1 =	sld [smem:$0x3F8D];
	s0 =	simm.s32 @p0 $0x1  }
0x13: {  	[smem:$0x3FA8] =	sst s0;
	s0 =	simm.s32 @!p1 $0x0  }
0x14: {  	s2 =	sld [smem:$0x3F8C];
	s0 =	simm.s32 @p1 $0x1  }
0x15: {  	[smem:$0x3FA9] =	sst s0;
	s0 =	simm.s32 @!p2 $0x0  }
0x16: {  	s3 =	sld [smem:$0x3FDB];
	s0 =	simm.s32 @p2 $0x1  }
0x17: {  	s4 =	simm.s32 $0x1BF5;
	[smem:$0x3FAB] =	sst s0  }
0x18: {  	s0 =	sld [smem:$0x3F8E];
	_ =	swait.ge [sflag:s4], $0x0  }
0x19: {  	s7 =	sld [smem:$0x3F8F]  }
0x1a: {  	s8 =	sadd.s32 $0xFFFFE003, lr  }
0x1b: {  	s9 =	sadd.s32 $0xFFFFFEF7, lr;
	s5 =	simm.s32 $0xFFFFFFFF;
	p2 =	slt.u32 s8, $0xFFFFF086  }
0x1c: {  	p1 =	slt.u32 s9, $0xF7A;
	s5 =	simm.s32 @!p2 $0x0  }
0x1d: {  	s5 =	simm.s32 @p1 $0x1;
	p0 =	seq.s32 s7, s2  }
0x1e: {  	s7 =	smul.u32 @!p0 $0xF7A, s2;
	p2 =	seq.s32 @!p0 s5, $0x0  }
0x1f: {  	s9 =	smul.u32 $0xF7A, s1;
	s8 =	simm.s32 @!p0 $0x1BF5;
	p2 =	por !p2, p0  }
0x20: {  	[sflag:s8] =	ssyncset.s32 @!p0 $0xFFFFF086;
	s6 =	sadd.s32 @!p0 s3, s7;
	s7 =	simm.s32 @!p0 $0x108  }
0x21: {  	s3 =	sadd.s32 s3, s9;
	s6 =	sadd.s32 @!p0 $0x88, s6;
	s7 =	simm.s32 @p2 $0x1082  }
0x22: {  	[simem:s7], [sflag:s8] =	dma.local @!p0 [hbm:s6], $0xF7A  }
0x23: {  	s9 =	sor.u32 $0xD0000000, s2;
	s6 =	simm.s32 $0x108;
	_ =	swait.ge @!p0 [sflag:s8], $0x0  }
0x24: {  	s3 =	sadd.s32 $0x88, s3;
	s6 =	simm.s32 @!p1 $0x1082;
	[sflag:s4] =	ssyncset.s32 $0xFFFFF086  }
0x25: {  	[simem:s6], [sflag:s4] =	dma.local [hbm:s3], $0xF7A  }
0x26: {  	[smem:$0x3F8F] =	sst s1;
	(tag) =	ssettag s2;
	_ =	strace s9  }
0x27: {  	s1 =	sld [smem:$0x3F9F]  }
0x28: {  	s2 =	sld [smem:$0x3FA0]  }
0x29: {  	s4 =	sld [smem:$0x3FA2]  }
0x2a: {  	p0 =	seq.s32 s5, $0x0;
	s5 =	sld [smem:$0x3FA3]  }
0x2b: {  	s6 =	sld [smem:$0x3FA4]  }
0x2c: {  	s7 =	sld [smem:$0x3FA5]  }
0x2d: {  	s3 =	simm.s32 $0x108;
	s8 =	sld [smem:$0x3FA6]  }
0x2e: {  	s3 =	simm.s32 @!p0 $0x1082;
	s9 =	sld [smem:$0x3FA7]  }
0x2f: {  	lr =	sadd.s32 s0, s3;
	s0 =	sld [smem:$0x3F9E]  }
0x30: {  	s3 =	sld [smem:$0x3FA1]  }
0x31: {  	[smem:$0x3FAA] =	sst s10  }
0x32: {  	s10 =	sld [smem:$0x3FA8];
	_ =	sdelay $0x3  }
0x33: {  	p0 =	seq.s32 s10, $0x1;
	s10 =	sld [smem:$0x3FAA];
	_ =	sdelay $0x3  }
0x34: {  	[smem:$0x3FAA] =	sst s10  }
0x35: {  	s10 =	sld [smem:$0x3FA9];
	_ =	sdelay $0x3  }
0x36: {  	p1 =	seq.s32 s10, $0x1;
	s10 =	sld [smem:$0x3FAA];
	_ =	sdelay $0x3  }
0x37: {  	[smem:$0x3FAA] =	sst s10  }
0x38: {  	s10 =	sld [smem:$0x3FAB]  }
0x39: {  	_ = 	snop;
	(pc) =	sbr.ind lr, $3  }
0x3a: {  	_ = 	snop  }
0x3b: {  	_ = 	snop  }
0x3c: {  	p2 =	seq.s32 s10, $0x1;
	s10 =	sld [smem:$0x3FAA]  }
0x3d: {  	_ =	shalt  }
0x3e: {  	_ =	shalt  }
0x3f: {  	_ =	shalt  }
0x40: {  	_ =	shalt  }
0x41: {  	_ =	shalt  }
0x42: {  	_ =	shalt  }
0x43: {  	_ =	shalt  }
0x44: {  	_ =	shalt  }
0x45: {  	_ =	shalt  }
0x46: {  	_ =	shalt  }
0x47: {  	_ =	shalt  }
0x48: {  	_ =	shalt  }
0x49: {  	_ =	shalt  }
0x4a: {  	_ =	shalt  }
0x4b: {  	_ =	shalt  }
0x4c: {  	_ =	shalt  }
0x4d: {  	_ =	shalt  }
0x4e: {  	_ =	shalt  }
0x4f: {  	_ =	shalt  }
0x50: {  	_ =	shalt  }
0x51: {  	_ =	shalt  }
0x52: {  	_ =	shalt  }
0x53: {  	_ =	shalt  }
0x54: {  	_ =	shalt  }
0x55: {  	_ =	shalt  }
0x56: {  	_ =	shalt  }
0x57: {  	_ =	shalt  }
0x58: {  	_ =	shalt  }
0x59: {  	_ =	shalt  }
0x5a: {  	_ =	shalt  }
0x5b: {  	_ =	shalt  }
0x5c: {  	_ =	shalt  }
0x5d: {  	_ =	shalt  }
0x5e: {  	_ =	shalt  }
0x5f: {  	_ =	shalt  }
0x60: {  	_ =	shalt  }
0x61: {  	_ =	shalt  }
0x62: {  	_ =	shalt  }
0x63: {  	_ =	shalt  }
0x64: {  	_ =	shalt  }
0x65: {  	_ =	shalt  }
0x66: {  	_ =	shalt  }
0x67: {  	_ =	shalt  }
0x68: {  	_ =	shalt  }
0x69: {  	_ =	shalt  }
0x6a: {  	_ =	shalt  }
0x6b: {  	_ =	shalt  }
0x6c: {  	_ =	shalt  }
0x6d: {  	_ =	shalt  }
0x6e: {  	_ =	shalt  }
0x6f: {  	_ =	shalt  }
0x70: {  	_ =	shalt  }
0x71: {  	_ =	shalt  }
0x72: {  	_ =	shalt  }
0x73: {  	_ =	shalt  }
0x74: {  	_ =	shalt  }
0x75: {  	_ =	shalt  }
0x76: {  	_ =	shalt  }
0x77: {  	_ =	shalt  }
0x78: {  	_ =	shalt  }
0x79: {  	_ =	shalt  }
0x7a: {  	_ =	shalt  }
0x7b: {  	_ =	shalt  }
0x7c: {  	_ =	shalt  }
0x7d: {  	_ =	shalt  }
0x7e: {  	_ =	shalt  }
0x7f: {  	_ =	shalt  }
0x80: {  	_ =	shalt  }
0x81: {  	_ =	shalt  }
0x82: {  	_ =	shalt  }
0x83: {  	_ =	shalt  }
0x84: {  	_ =	shalt  }
0x85: {  	_ =	shalt  }
0x86: {  	_ =	shalt  }
0x87: {  	_ =	shalt  }
.Lfunc_end0:
.L_simem_size_0:
called_computation_lowered:
.L_overlay_start_0:
0x88: {  	s2 =	sld [smem:$0x3FD9]  }
0x89: {  	s3 =	sld [smem:$0x3FFE];
	_ =	sdelay $0x1  }
0x8a: {  	s1 =	srdreg.scid  }
0x8b: {  	s0 =	sand.u32 $0x1, s1  }
0x8c: {  	s17 =	sshll.u32 s0, $0xA;
	s2 =	sadd.s32 s3, s2  }
0x8d: {  	s2 =	sadd.s32 s2, s17  }
0x8e: {  	[smem:$0x3FB6] =	sst s2  }
0x8f: {  	_ = 	snop  }
0x90: {  	s2 =	sld [smem:$0x3FC9]  }
0x91: {  	s18 =	sld [smem:$0x3FD0];
	(tm) =	ssettm $0x1  }
0x92: {  	s4 =	sld [smem:$0x3FFB];
	_ =	sdelay $0x3  }
0x93: {  	_ =	strace s4  }
0x94: {  	s4 =	sld [smem:$0x3FFC];
	_ =	sdelay $0x3  }
0x95: {  	_ =	strace s4  }
0x96: {  	s4 =	sld [smem:$0x3FFD];
	_ =	sdelay $0x3  }
0x97: {  	_ =	strace s4  }
0x98: {  	_ =	strace $0x8FFFFFFF  }
0x99: {  	s19 =	sld [smem:$0x3FDB];
	_ =	sdelay $0x1  }
0x9a: {  	s5 =	simm.s32 $_scs_section_size  }
0x9b: {  	s6 =	simm.s32 $_size__tile_overlayer_lowered;
	s7 =	simm.s32 $_tile_overlayer_lowered  }
0x9c: {  	s22 =	simm.s32 $0x1BFF;
	s21 =	sshll.u32 s7, $0x1;
	s4 =	sadd.s32 s5, s19  }
0x9d: {  	s8 =	simm.s32 $0x0;
	s20 =	sshll.u32 s6, $0x1;
	s6 =	sadd.s32 s21, s4  }
0x9e: {  	[timem:s8], [sflag:s22] =	dma.local [hbm:s6], s20  }
0x9f: {  	_ =	swait.ge [sflag:s22], s20  }
0xa0: {  	s5 =	ssub.s32 $0x0, s20;
	[sflag:s22] =	ssyncset.done $0x0  }
0xa1: {  	[sflag:s22] =	ssyncadd.s32 s5;
	_ =	sdelay $0x1  }
0xa2: {  	s23 =	simm.s32 $0x1B8B  }
0xa3: {  	_ =	swait.ge [sflag:s23], $0x1  }
0xa4: {  	[sflag:s23] =	ssyncset.done $0x0  }
0xa5: {  	s25 =	simm.s32 $0x1B8E;
	s24 =	sld [smem:$0x3FFE];
	[sflag:s23] =	ssyncadd.s32 $0xFFFFFFFF  }
0xa6: {  	s26 =	simm.s32 $execute0_lowered;
	[smem:$0x3FD2] =	sst s25  }
0xa7: {  	s6 =	sshll.u32 s26, $0x1;
	_ =	strace $0x80000046;
	[dreg:$0x1] =	wrdreg $0xFFFFFFFF  }
0xa8: {  	s28 =	simm.s32 $_size_execute0_lowered;
	s4 =	sadd.s32 s4, s6;
	[dreg:$0x0] =	wrdreg $0x0  }
0xa9: {  	s6 =	sshll.u32 s28, $0x1;
	[dreg:$0x2] =	wrdreg s4  }
0xaa: {  	[dreg:$0x3] =	wrdreg s6  }
0xab: {  	[dreg:$0x4] =	wrdreg $0xC0  }
0xac: {  	_ =	task [dreg:s8], $0x5FFFF  }
0xad: {  	[dreg:$0x1] =	wrdreg $0xFFFFFFFF  }
0xae: {  	[dreg:$0x0] =	wrdreg $0x60  }
0xaf: {  	[dreg:$0x2] =	wrdreg s2  }
0xb0: {  	[dreg:$0x3] =	wrdreg s18  }
0xb1: {  	[dreg:$0x4] =	wrdreg s24  }
0xb2: {  	[dreg:$0x5] =	wrdreg $0x0  }
0xb3: {  	[dreg:$0x6] =	wrdreg $0x9  }
0xb4: {  	_ =	task.clear_ibuf [dreg:s8], $0x7FFFF;
	_ =	strace $0x90000046  }
0xb5: {  	s29 =	simm.s32 $0x9;
	_ =	strace $0x80000048  }
0xb6: {  	_ =	swait.ge [sflag:s29], $0x1  }
0xb7: {  	[sflag:s29] =	ssyncadd.s32 $0xFFFFFFFF  }
0xb8: {  	_ =	strace $0x90000048  }
0xb9: {  	_ =	sfence  }
0xba: {  	s30 =	sld [smem:$0x0];
	_ =	sdelay $0x2  }
0xbb: {  	s31 =	sshll.u32 s1, $0xD;
	s1 =	sshrl.u32 s1, $0x2  }
0xbc: {  	s3 =	sand.u32 $0x4000, s31;
	s1 =	sadd.s32 s1, s30  }
0xbd: {  	s0 =	sor.u32 s3, s0;
	s1 =	sshll.u32 s1, $0x11  }
0xbe: {  	s0 =	sor.u32 s1, s0  }
0xbf: {  	s0 =	sadd.s32 $0x8F2B, s0  }
0xc0: {  	[sflag:s0] =	ssyncadd.remote.s32 $0x1  }
0xc1: {  	_ =	sfence.sel $0xFFFF  }
0xc2: {  	[dreg:$0x0] =	wrdreg $0xFFFFFFFF;
	(pc) =	sbr.abs _section_cstart, $3  }
0xc3: {  	[dreg:$0x1] =	wrdreg $0xFFFFFFFF  }
0xc4: {  	_ =	task.clear_ibuf [dreg:s8], $0x2FFFF;
	_ =	strace $0x9FFFFFFF  }
0xc5: {  	(tm) =	ssettm $0x7FFFFFFF  }
tec
execute0_lowered:
.L_overlay_start_1:
0x0: {  	(tag) =	ssettag $0x1  }
0x1: {  	s1 =	rddreg [dreg:$0x0]  }
0x2: {  	s0 =	rddreg [dreg:$0x1]  }
0x3: {  	s4 =	rddreg [dreg:$0x2]  }
0x4: {  	s2 =	rddreg [dreg:$0x3]  }
0x5: {  	s3 =	simm.s32 $0x0;
	s5 =	srdreg.scid;
	s17 =	stileid.u32  }
0x6: {  	s19 =	simm.s32 $0x138C0;
	s23 =	simm.s32 $0x3;
	[smem:$0x7FF] =	sst s3  }
0x7: {  	s6 =	sand.u32 $0x1, s5;
	s13 =	sadd.s32 $0x3000, s4;
	s8 =	smul.u32 $0x4E000, s17  }
0x8: {  	s26 =	smul.u32 $0x14, s17;
	s29 =	sshll.u32 s17, $0x6;
	s18 =	sadd.s32 $0x138000, s2  }
0x9: {  	_ =	strace $0x80000047;
	s5 =	smul.u32 $0x27100, s6;
	s7 =	ssub.s32 $0x2, s6  }
0xa: {  	p0 =	seq.s32 s6, $0x0;
	s6 =	simm.s32 $0x8A;
	s9 =	sshrl.u32 s7, $0x1  }
0xb: {  	s8 =	sshrl.u32 s8, $0x2;
	s6 =	simm.s32 @!p0 $0x14;
	s10 =	sadd.s32 $0x8A0, s26  }
0xc: {  	s26 =	simm.s32 $0x0;
	s4 =	sadd.s32 s5, s4;
	s5 =	smul.u32 $0x2700, s17  }
0xd: {  	s15 =	ssub.s32 s7, s9;
	s9 =	smul.u32 $0x8A, s17;
	s30 =	sadd.s32 $0xFFFFFFFE, s6  }
0xe: {  	s16 =	sadd.s32 s8, s2;
	s31 =	sadd.s32 $0xFFFFFFFD, s6;
	[dreg:$0x5] =	wrdreg s30  }
0xf: {  	s8 =	sor.u32 $0x1C05, s29;
	[dreg:$0x6] =	wrdreg s31;
	s15 =	smax.u32 s15, $0x1  }
0x10: {  	s16 =	sshrl.u32 s16, $0x3;
	s28 =	sadd.s32 s1, s5;
	s10 =	smov.u32 @p0 s9  }
0x11: {  	s9 =	sadd.s32 $0x27000, s1;
	p0 =	sne.s32 s17, $0xF;
	s17 =	simm.s32 $0x5  }
0x12: {  	[dreg:$0x7] =	wrdreg s28;
	s11 =	sshll.u32 s10, $0x4;
	s18 =	sshrl.u32 @!p0 s18, $0x3  }
0x13: {  	s10 =	sadd.s32 s0, s11;
	s14 =	sor.u32 $0x10, s11;
	s11 =	sadd.s32 s13, s11  }
0x14: {  	s12 =	sadd.s32 s0, s14;
	s13 =	sadd.s32 s13, s14;
	s14 =	sadd.s32 $0xCE00, s4  }
.LBB2_1:
0x15: {  	s0 =	rddreg [dreg:$0x7]  }
0x16: {  	[spmem:s16], [sflag:s8] =	dma.local [hbm:s0], $0x2700  }
0x17: {  	_ =	swait.ge [sflag:s17], $0x2700  }
0x18: {  	[sflag:s17] =	ssyncset.done $0x0  }
0x19: {  	s0 =	simm.s32 @!p0 $0x5;
	[sflag:s17] =	ssyncadd.s32 $0xFFFFD900  }
0x1a: {  	[spmem:s18], [sflag:s8] =	dma.local @!p0 [hbm:s9], $0x100  }
0x1b: {  	_ =	swait.ge @!p0 [sflag:s0], $0x100  }
0x1c: {  	[sflag:s0] =	ssyncset.done @!p0 $0x0  }
0x1d: {  	[sflag:s0] =	ssyncadd.s32 @!p0 $0xFFFFFF00  }
0x1e: {  	[bflag:$0x0] =	sbarrier.arrive $0xFFFF  }
0x1f: {  	[tilespmem:s19], [sflag:$0x3] =	stream.linear.gather [hbm4b:s10+s3], $0x80, $0x38;
	[tilespmem:$0x1BAC0] =	vst v63  }
0x20: {  	s7 =	simm.s32 $0x139C0  }
0x21: {  	[tilespmem:s7], [sflag:$0x3] =	stream.linear.gather [hbm4b:s11+s3], $0x80, $0x38;
	[tilespmem:$0x1BAC0] =	vst v63  }
0x22: {  	s20 =	simm.s32 $0x13940  }
0x23: {  	[tilespmem:s20], [sflag:$0x4] =	stream.linear.gather [hbm4b:s12+s3], $0x80, $0x38;
	[tilespmem:$0x1BAC0] =	vst v63  }
0x24: {  	s21 =	simm.s32 $0x13A40  }
0x25: {  	[tilespmem:s21], [sflag:$0x4] =	stream.linear.gather [hbm4b:s13+s3], $0x80, $0x38;
	[tilespmem:$0x1BAC0] =	vst v63  }
0x26: {  	_ =	swait.ge [sflag:s23], $0x80  }
0x27: {  	[sflag:s23] =	ssyncset.done $0x0  }
0x28: {  	[sflag:s23] =	ssyncadd.s32 $0xFFFFFF80  }
0x29: {  	p1 =	sle.u32 s6, $0x1;
	_ =	swait.ge [sflag:s23], $0x80  }
0x2a: {  	s22 =	simm.s32 $0x80;
	p1 =	por p1, p1;
	[sflag:s23] =	ssyncset.done $0x0  }
0x2b: {  	s4 =	simm.s32 $0x13AC0;
	s0 =	simm.s32 @!p1 $0x4;
	[sflag:s23] =	ssyncadd.s32 $0xFFFFFF80  }
0x2c: {  	[tilespmem:s4], [sflag:$0x1] =	stream.indirect.gather [hbm4b:s1+s22], $0x80, s19, s22, $0xb8;
	[tilespmem:$0x1BAC0] =	vst v63  }
0x2d: {  	_ =	swait.ge @!p1 [sflag:s0], $0x80  }
0x2e: {  	[sflag:s0] =	ssyncset.done @!p1 $0x0  }
0x2f: {  	[sflag:s0] =	ssyncadd.s32 @!p1 $0xFFFFFF80  }
0x30: {  	p3 =	sle.u32 s6, $0x0;
	_ =	swait.ge @!p1 [sflag:s0], $0x80  }
0x31: {  	s20 =	simm.s32 @!p1 $0x17AC0;
	s21 =	simm.s32 @!p3 $0x1;
	[sflag:s0] =	ssyncset.done @!p1 $0x0  }
0x32: {  	s4 =	simm.s32 @!p1 $0x13940;
	[sflag:s0] =	ssyncadd.s32 @!p1 $0xFFFFFF80;
	s0 =	simm.s32 @!p1 $0x80  }
0x33: {  	[tilespmem:s20], [sflag:$0x2] =	stream.indirect.gather @!p1 [hbm4b:s1+s0], $0x80, s4, s0, $0xb8;
	[tilespmem:$0x1BAC0] =	vst v63  }
0x34: {  	_ =	swait.ge @!p3 [sflag:s21], $0x4000  }
0x35: {  	s28 =	simm.s32 @!p3 $0x139C0;
	s22 =	simm.s32 @!p3 $0x5;
	[sflag:s21] =	ssyncset.done @!p3 $0x0  }
0x36: {  	s4 =	simm.s32 @!p3 $0x13AC0;
	[sflag:s21] =	ssyncadd.s32 @!p3 $0xFFFFC000;
	s21 =	simm.s32 @!p3 $0x80  }
0x37: {  	[spmem:s2] =	stream.indirect.scatter.add.f32 @!p3 [tilespmem:s4], [sflag:$0x5], $0x80, s28, s21, $0xb8;
	[tilespmem:$0x1BAC0] =	vst v63  }
0x38: {  	_ =	swait.ge @!p3 [sflag:s22], $0x4000  }
0x39: {  	s24 =	rddreg [dreg:$0x5]  }
0x3a: {  	[sflag:s22] =	ssyncset.done @!p3 $0x0;
	p2 =	sle.u32 s24, $0x0  }
0x3b: {  	[sflag:s22] =	ssyncadd.s32 @!p3 $0xFFFFC000;
	s4 =	sadd.s32 @!p2 $0x0, s10;
	s21 =	simm.s32 @!p2 $0x0  }
0x3c: {  	s22 =	simm.s32 @!p2 $0x138C0;
	s28 =	sadd.s32 @!p2 $0x0, s11;
	s4 =	sadd.s32 @!p2 $0x20, s4  }
0x3d: {  	[tilespmem:s22], [sflag:$0x3] =	stream.linear.gather @!p2 [hbm4b:s4+s21], $0x80, $0x38;
	[tilespmem:$0x1BAC0] =	vst v63  }
0x3e: {  	s29 =	simm.s32 @!p2 $0x3;
	s4 =	sadd.s32 @!p2 $0x20, s28;
	s28 =	simm.s32 @!p2 $0x139C0  }
0x3f: {  	[tilespmem:s28], [sflag:$0x3] =	stream.linear.gather @!p2 [hbm4b:s4+s21], $0x80, $0x38;
	[tilespmem:$0x1BAC0] =	vst v63  }
0x40: {  	_ =	swait.ge @!p2 [sflag:s29], $0x80  }
0x41: {  	[sflag:s29] =	ssyncset.done @!p2 $0x0  }
0x42: {  	[sflag:s29] =	ssyncadd.s32 @!p2 $0xFFFFFF80  }
0x43: {  	_ =	swait.ge @!p2 [sflag:s29], $0x80  }
0x44: {  	s4 =	simm.s32 @!p2 $0x80;
	[sflag:s29] =	ssyncset.done @!p2 $0x0  }
0x45: {  	s21 =	simm.s32 @!p2 $0x13AC0;
	s28 =	simm.s32 @!p1 $0x2;
	[sflag:s29] =	ssyncadd.s32 @!p2 $0xFFFFFF80  }
0x46: {  	[tilespmem:s21], [sflag:$0x1] =	stream.indirect.gather @!p2 [hbm4b:s1+s4], $0x80, s22, s4, $0xb8;
	[tilespmem:$0x1BAC0] =	vst v63  }
0x47: {  	_ =	swait.ge @!p1 [sflag:s28], $0x4000  }
0x48: {  	[sflag:s28] =	ssyncset.done @!p1 $0x0  }
0x49: {  	s4 =	simm.s32 @!p1 $0x13A40;
	s21 =	simm.s32 @!p1 $0x5;
	[sflag:s28] =	ssyncadd.s32 @!p1 $0xFFFFC000  }
0x4a: {  	[spmem:s2] =	stream.indirect.scatter.add.f32 @!p1 [tilespmem:s20], [sflag:$0x5], $0x80, s4, s0, $0xb8;
	[tilespmem:$0x1BAC0] =	vst v63  }
0x4b: {  	s31 =	simm.s32 $0x40;
	s30 =	simm.s32 $0x2;
	_ =	swait.ge @!p1 [sflag:s21], $0x4000  }
0x4c: {  	p4 =	sle.u32 s6, $0x3;
	s29 =	simm.s32 $0x2;
	s25 =	rddreg [dreg:$0x6]  }
0x4d: {  	s28 =	simm.s32 $0x20;
	[sflag:s21] =	ssyncset.done @!p1 $0x0;
	p3 =	sle.u32 s25, $0x0  }
0x4e: {  	[sflag:s21] =	ssyncadd.s32 @!p1 $0xFFFFC000;
	s0 =	sadd.s32 @!p3 $0x0, s10;
	s4 =	simm.s32 @!p3 $0x0  }
0x4f: {  	s22 =	simm.s32 @!p3 $0x13940;
	s20 =	sadd.s32 @!p3 $0x0, s11;
	s21 =	sadd.s32 @!p3 $0x30, s0  }
.LBB2_2:
0x50: {  	[tilespmem:s22], [sflag:$0x4] =	stream.linear.gather @!p3 [hbm4b:s21+s4], $0x80, $0x38;
	[tilespmem:$0x1BAC0] =	vst v63  }
0x51: {  	p1 =	por p4, p4  }
0x52: {  	s20 =	sadd.s32 @!p3 $0x30, s20;
	s22 =	simm.s32 @!p3 $0x13A40;
	s21 =	simm.s32 @!p1 $0x4  }
0x53: {  	[tilespmem:s22], [sflag:$0x4] =	stream.linear.gather @!p3 [hbm4b:s20+s4], $0x80, $0x38;
	[tilespmem:$0x1BAC0] =	vst v63  }
0x54: {  	_ =	swait.ge @!p1 [sflag:s21], $0x80  }
0x55: {  	[sflag:s21] =	ssyncset.done @!p1 $0x0  }
0x56: {  	[sflag:s21] =	ssyncadd.s32 @!p1 $0xFFFFFF80  }
0x57: {  	p4 =	sge.u32 s30, s6;
	_ =	swait.ge @!p1 [sflag:s21], $0x80  }
0x58: {  	s22 =	simm.s32 @!p1 $0x13940;
	s4 =	simm.s32 @!p1 $0x17AC0;
	[sflag:s21] =	ssyncset.done @!p1 $0x0  }
0x59: {  	s20 =	simm.s32 @!p1 $0x80;
	[sflag:s21] =	ssyncadd.s32 @!p1 $0xFFFFFF80;
	s21 =	simm.s32 @!p4 $0x1  }
0x5a: {  	[tilespmem:s4], [sflag:$0x2] =	stream.indirect.gather @!p1 [hbm4b:s1+s20], $0x80, s22, s20, $0xb8;
	[tilespmem:$0x1BAC0] =	vst v63  }
0x5b: {  	_ =	swait.ge @!p4 [sflag:s21], $0x4000  }
0x5c: {  	s24 =	simm.s32 @!p4 $0x5;
	s25 =	simm.s32 @!p4 $0x139C0;
	[sflag:s21] =	ssyncset.done @!p4 $0x0  }
0x5d: {  	s22 =	simm.s32 @!p4 $0x13AC0;
	[sflag:s21] =	ssyncadd.s32 @!p4 $0xFFFFC000;
	s21 =	simm.s32 @!p4 $0x80  }
0x5e: {  	[spmem:s2] =	stream.indirect.scatter.add.f32 @!p4 [tilespmem:s22], [sflag:$0x5], $0x80, s25, s21, $0xb8;
	[tilespmem:$0x1BAC0] =	vst v63  }
0x5f: {  	_ =	swait.ge @!p4 [sflag:s24], $0x4000  }
0x60: {  	s22 =	rddreg [dreg:$0x5]  }
0x61: {  	s0 =	smov.u32 s28;
	[sflag:s24] =	ssyncset.done @!p4 $0x0;
	p3 =	sge.u32 s30, s22  }
0x62: {  	[sflag:s24] =	ssyncadd.s32 @!p4 $0xFFFFC000;
	s21 =	sadd.s32 @!p3 s0, s10;
	s22 =	simm.s32 @!p3 $0x0  }
0x63: {  	s24 =	simm.s32 @!p3 $0x138C0;
	s25 =	sadd.s32 @!p3 s0, s11;
	s21 =	sadd.s32 @!p3 $0x20, s21  }
0x64: {  	[tilespmem:s24], [sflag:$0x3] =	stream.linear.gather @!p3 [hbm4b:s21+s22], $0x80, $0x38;
	[tilespmem:$0x1BAC0] =	vst v63  }
0x65: {  	s7 =	simm.s32 @!p3 $0x3;
	s21 =	sadd.s32 @!p3 $0x20, s25;
	s25 =	simm.s32 @!p3 $0x139C0  }
0x66: {  	[tilespmem:s25], [sflag:$0x3] =	stream.linear.gather @!p3 [hbm4b:s21+s22], $0x80, $0x38;
	[tilespmem:$0x1BAC0] =	vst v63  }
0x67: {  	_ =	swait.ge @!p3 [sflag:s7], $0x80  }
0x68: {  	[sflag:s7] =	ssyncset.done @!p3 $0x0  }
0x69: {  	[sflag:s7] =	ssyncadd.s32 @!p3 $0xFFFFFF80  }
0x6a: {  	_ =	swait.ge @!p3 [sflag:s7], $0x80  }
0x6b: {  	s21 =	simm.s32 @!p3 $0x80;
	[sflag:s7] =	ssyncset.done @!p3 $0x0  }
0x6c: {  	s22 =	simm.s32 @!p3 $0x13AC0;
	[sflag:s7] =	ssyncadd.s32 @!p3 $0xFFFFFF80;
	s7 =	simm.s32 @!p1 $0x2  }
0x6d: {  	[tilespmem:s22], [sflag:$0x1] =	stream.indirect.gather @!p3 [hbm4b:s1+s21], $0x80, s24, s21, $0xb8;
	[tilespmem:$0x1BAC0] =	vst v63  }
0x6e: {  	s28 =	smov.u32 s31;
	s31 =	sadd.s32 $0x20, s31;
	_ =	swait.ge @!p1 [sflag:s7], $0x4000  }
0x6f: {  	p2 =	sne.s32 s31, $0x8A0;
	s30 =	sadd.s32 $0x2, s30;
	[sflag:s7] =	ssyncset.done @!p1 $0x0  }
0x70: {  	s21 =	simm.s32 @!p1 $0x5;
	[sflag:s7] =	ssyncadd.s32 @!p1 $0xFFFFC000;
	s7 =	simm.s32 @!p1 $0x13A40  }
0x71: {  	[spmem:s2] =	stream.indirect.scatter.add.f32 @!p1 [tilespmem:s4], [sflag:$0x5], $0x80, s7, s20, $0xb8;
	[tilespmem:$0x1BAC0] =	vst v63  }
.Ltmp0:
0x72: {  	s25 =	sadd.s32 $0x1, s30;
	_ =	swait.ge @!p1 [sflag:s21], $0x4000;
	(pc) =	sbr.rel @p2 .LBB2_2-.Ltmp0, $4  }
0x73: {  	p4 =	sge.u32 s25, s6;
	s24 =	rddreg [dreg:$0x6]  }
0x74: {  	[sflag:s21] =	ssyncset.done @!p1 $0x0;
	p3 =	sge.u32 s29, s24;
	s29 =	smov.u32 s30  }
0x75: {  	[sflag:s21] =	ssyncadd.s32 @!p1 $0xFFFFC000;
	s7 =	sadd.s32 @!p3 s0, s10;
	s4 =	simm.s32 @!p3 $0x0  }
0x76: {  	s22 =	simm.s32 @!p3 $0x13940;
	s20 =	sadd.s32 @!p3 s0, s11;
	s21 =	sadd.s32 @!p3 $0x30, s7  }
0x77: {  	[tilespmem:s22], [sflag:$0x4] =	stream.linear.gather @!p3 [hbm4b:s21+s4], $0x80, $0x38;
	[tilespmem:$0x1BAC0] =	vst v63  }
0x78: {  	p1 =	por p4, p4  }
0x79: {  	s7 =	sadd.s32 @!p3 $0x30, s20;
	s20 =	simm.s32 @!p3 $0x13A40;
	s0 =	simm.s32 @!p1 $0x4  }
0x7a: {  	[tilespmem:s20], [sflag:$0x4] =	stream.linear.gather @!p3 [hbm4b:s7+s4], $0x80, $0x38;
	[tilespmem:$0x1BAC0] =	vst v63  }
0x7b: {  	_ =	swait.ge @!p1 [sflag:s0], $0x80  }
0x7c: {  	[sflag:s0] =	ssyncset.done @!p1 $0x0  }
0x7d: {  	[sflag:s0] =	ssyncadd.s32 @!p1 $0xFFFFFF80  }
0x7e: {  	s4 =	simm.s32 @!p1 $0x13940;
	_ =	swait.ge @!p1 [sflag:s0], $0x80  }
0x7f: {  	s7 =	simm.s32 @!p1 $0x17AC0;
	p3 =	sge.u32 s30, s6;
	[sflag:s0] =	ssyncset.done @!p1 $0x0  }
0x80: {  	s20 =	simm.s32 @!p3 $0x1;
	[sflag:s0] =	ssyncadd.s32 @!p1 $0xFFFFFF80;
	s0 =	simm.s32 @!p1 $0x80  }
0x81: {  	[tilespmem:s7], [sflag:$0x2] =	stream.indirect.gather @!p1 [hbm4b:s1+s0], $0x80, s4, s0, $0xb8;
	[tilespmem:$0x1BAC0] =	vst v63  }
0x82: {  	_ =	swait.ge @!p3 [sflag:s20], $0x4000  }
0x83: {  	s21 =	simm.s32 @!p3 $0x5;
	s22 =	simm.s32 @!p3 $0x139C0;
	[sflag:s20] =	ssyncset.done @!p3 $0x0  }
0x84: {  	s4 =	simm.s32 @!p3 $0x13AC0;
	[sflag:s20] =	ssyncadd.s32 @!p3 $0xFFFFC000;
	s20 =	simm.s32 @!p3 $0x80  }
0x85: {  	[spmem:s2] =	stream.indirect.scatter.add.f32 @!p3 [tilespmem:s4], [sflag:$0x5], $0x80, s22, s20, $0xb8;
	[tilespmem:$0x1BAC0] =	vst v63  }
0x86: {  	_ =	swait.ge @!p3 [sflag:s21], $0x4000  }
0x87: {  	s25 =	rddreg [dreg:$0x5]  }
0x88: {  	[sflag:s21] =	ssyncset.done @!p3 $0x0;
	p2 =	sge.u32 s30, s25  }
0x89: {  	[sflag:s21] =	ssyncadd.s32 @!p3 $0xFFFFC000;
	s4 =	sadd.s32 @!p2 s28, s10;
	s20 =	simm.s32 @!p2 $0x0  }
0x8a: {  	s21 =	simm.s32 @!p2 $0x138C0;
	s22 =	sadd.s32 @!p2 s28, s11;
	s4 =	sadd.s32 @!p2 $0x20, s4  }
0x8b: {  	[tilespmem:s21], [sflag:$0x3] =	stream.linear.gather @!p2 [hbm4b:s4+s20], $0x80, $0x38;
	[tilespmem:$0x1BAC0] =	vst v63  }
0x8c: {  	s24 =	simm.s32 @!p2 $0x3;
	s4 =	sadd.s32 @!p2 $0x20, s22;
	s22 =	simm.s32 @!p2 $0x139C0  }
0x8d: {  	[tilespmem:s22], [sflag:$0x3] =	stream.linear.gather @!p2 [hbm4b:s4+s20], $0x80, $0x38;
	[tilespmem:$0x1BAC0] =	vst v63  }
0x8e: {  	_ =	swait.ge @!p2 [sflag:s24], $0x80  }
0x8f: {  	[sflag:s24] =	ssyncset.done @!p2 $0x0  }
0x90: {  	[sflag:s24] =	ssyncadd.s32 @!p2 $0xFFFFFF80  }
0x91: {  	_ =	swait.ge @!p2 [sflag:s24], $0x80  }
0x92: {  	s4 =	simm.s32 @!p2 $0x80;
	[sflag:s24] =	ssyncset.done @!p2 $0x0  }
0x93: {  	s20 =	simm.s32 @!p2 $0x13AC0;
	s22 =	simm.s32 @!p1 $0x2;
	[sflag:s24] =	ssyncadd.s32 @!p2 $0xFFFFFF80  }
0x94: {  	[tilespmem:s20], [sflag:$0x1] =	stream.indirect.gather @!p2 [hbm4b:s1+s4], $0x80, s21, s4, $0xb8;
	[tilespmem:$0x1BAC0] =	vst v63  }
0x95: {  	_ =	swait.ge @!p1 [sflag:s22], $0x4000  }
0x96: {  	[sflag:s22] =	ssyncset.done @!p1 $0x0  }
0x97: {  	s4 =	simm.s32 @!p1 $0x13A40;
	s20 =	simm.s32 @!p1 $0x5;
	[sflag:s22] =	ssyncadd.s32 @!p1 $0xFFFFC000  }
0x98: {  	[spmem:s2] =	stream.indirect.scatter.add.f32 @!p1 [tilespmem:s7], [sflag:$0x5], $0x80, s4, s0, $0xb8;
	[tilespmem:$0x1BAC0] =	vst v63  }
0x99: {  	_ =	swait.ge @!p1 [sflag:s20], $0x4000  }
0x9a: {  	s30 =	rddreg [dreg:$0x6]  }
0x9b: {  	[sflag:s20] =	ssyncset.done @!p1 $0x0;
	p2 =	sge.u32 s29, s30  }
0x9c: {  	[sflag:s20] =	ssyncadd.s32 @!p1 $0xFFFFC000;
	s0 =	sadd.s32 @!p2 s28, s10;
	s4 =	simm.s32 @!p2 $0x0  }
0x9d: {  	s7 =	simm.s32 @!p2 $0x13940;
	s20 =	sadd.s32 @!p2 s28, s11;
	s0 =	sadd.s32 @!p2 $0x30, s0  }
0x9e: {  	[tilespmem:s7], [sflag:$0x4] =	stream.linear.gather @!p2 [hbm4b:s0+s4], $0x80, $0x38;
	[tilespmem:$0x1BAC0] =	vst v63  }
0x9f: {  	s0 =	sadd.s32 @!p2 $0x30, s20;
	s7 =	simm.s32 @!p2 $0x13A40  }
0xa0: {  	[tilespmem:s7], [sflag:$0x4] =	stream.linear.gather @!p2 [hbm4b:s0+s4], $0x80, $0x38;
	[tilespmem:$0x1BAC0] =	vst v63  }
0xa1: {  	s31 =	sadd.s32 s5, s14;
	[bflag:$0x0] =	sbarrier.arrive $0xFFFF  }
0xa2: {  	[hbm:s31], [sflag:s8] =	dma.local [spmem:s16], $0x2700  }
0xa3: {  	_ =	swait.ge [sflag:s17], $0x2700  }
0xa4: {  	s26 =	sadd.s32 $0x1, s26;
	[sflag:s17] =	ssyncset.done $0x0  }
0xa5: {  	p1 =	sne.s32 s26, s15;
	s0 =	sadd.s32 @!p0 $0x27000, s14;
	[sflag:s17] =	ssyncadd.s32 $0xFFFFD900  }
0xa6: {  	[hbm:s0], [sflag:s8] =	dma.local @!p0 [spmem:s18], $0x100  }
.Ltmp1:
0xa7: {  	_ = 	snop;
	(pc) =	sbr.rel @p1 .LBB2_1-.Ltmp1, $4  }
0xa8: {  	s0 =	simm.s32 @!p0 $0x5  }
0xa9: {  	_ =	swait.ge @!p0 [sflag:s0], $0x100  }
0xaa: {  	[sflag:s0] =	ssyncset.done @!p0 $0x0  }
0xab: {  	[sflag:s0] =	ssyncadd.s32 @!p0 $0xFFFFFF00  }
0xac: {  	_ =	sfence.sel $0x180000  }
0xad: {  	[bflag:$0x0] =	sbarrier.arrive $0xFFFF  }
0xae: {  	_ =	strace $0x90000047  }
0xaf: {  	s0 =	stileid.u32;
	[bflag:$0x2] =	sbarrier.arrive $0xFFFF  }
0xb0: {  	p0 =	sne.s32 s0, $0x0;
	s0 =	rddreg [dreg:$0x4]  }
0xb1: {  	s0 =	sadd.s32 @!p0 $0x100000, s0  }
0xb2: {  	[sflag:s0] =	ssyncadd.tile.s32 @!p0 $0x1;
	_ =	shalt  }
.Lfunc_end2:
_tile_overlayer_lowered:
.L_overlay_start_2:
0xb3: {  	(tag) =	ssettag $0x2  }
0xb4: {  	s0 =	rddreg [dreg:$0x0];
	s2 =	stileid.u32  }
0xb5: {  	s1 =	rddreg [dreg:$0x1];
	p0 =	sne.s32 s2, $0x0  }
0xb6: {  	s3 =	rddreg [dreg:$0x2];
	[bflag:$0x3] =	sbarrier.arrive $0xFFFF;
	s2 =	simm.s32 @!p0 $0x1C05  }
0xb7: {  	[timem:s3], [sflag:s2] =	dma.local @!p0 [hbm:s0], s1  }
0xb8: {  	s0 =	simm.s32 @!p0 $0x5  }
0xb9: {  	_ =	swait.ge @!p0 [sflag:s0], s1  }
0xba: {  	s1 =	ssub.s32 @!p0 $0x0, s1;
	[sflag:s0] =	ssyncset.done @!p0 $0x0  }
0xbb: {  	[sflag:s0] =	ssyncadd.s32 @!p0 s1  }
0xbc: {  	[bflag:$0x3] =	sbarrier.arrive $0xFFFF  }
0xbd: {  	_ =	shalt  }

// kernel: kernel.9.cloned.1.call-start
scs
__scs_entry_jumppad:
0x0: {  	(pc) =	sbr.rel $0x88, $3  }
0x1: {  	(tag) =	ssettag $0x0;
	lr =	simm.s32 $0x1  }
0x2: {  	[smem:$0x3F8F] =	sst lr;
	_ =	strace $0xD0000000  }
0x3: {  	_ = 	snop  }
0x4: {  	_ = 	snop  }
0x5: {  	_ = 	snop  }
0x6: {  	_ = 	snop  }
0x7: {  	_ = 	snop  }
__scs_overlays_trampoline_lowered:
0x8: {  	[smem:$0x3F9E] =	sst s0  }
0x9: {  	[smem:$0x3F9F] =	sst s1  }
0xa: {  	[smem:$0x3FA0] =	sst s2  }
0xb: {  	[smem:$0x3FA1] =	sst s3  }
0xc: {  	[smem:$0x3FA2] =	sst s4  }
0xd: {  	[smem:$0x3FA3] =	sst s5  }
0xe: {  	[smem:$0x3FA4] =	sst s6  }
0xf: {  	[smem:$0x3FA5] =	sst s7  }
0x10: {  	[smem:$0x3FA6] =	sst s8  }
0x11: {  	[smem:$0x3FA7] =	sst s9;
	s0 =	simm.s32 @!p0 $0x0  }
0x12: {  	s1 =	sld [smem:$0x3F8D];
	s0 =	simm.s32 @p0 $0x1  }
0x13: {  	[smem:$0x3FA8] =	sst s0;
	s0 =	simm.s32 @!p1 $0x0  }
0x14: {  	s2 =	sld [smem:$0x3F8C];
	s0 =	simm.s32 @p1 $0x1  }
0x15: {  	[smem:$0x3FA9] =	sst s0;
	s0 =	simm.s32 @!p2 $0x0  }
0x16: {  	s3 =	sld [smem:$0x3FDB];
	s0 =	simm.s32 @p2 $0x1  }
0x17: {  	s4 =	simm.s32 $0x1BF5;
	[smem:$0x3FAB] =	sst s0  }
0x18: {  	s0 =	sld [smem:$0x3F8E];
	_ =	swait.ge [sflag:s4], $0x0  }
0x19: {  	s7 =	sld [smem:$0x3F8F]  }
0x1a: {  	s8 =	sadd.s32 $0xFFFFE003, lr  }
0x1b: {  	s9 =	sadd.s32 $0xFFFFFEF7, lr;
	s5 =	simm.s32 $0xFFFFFFFF;
	p2 =	slt.u32 s8, $0xFFFFF086  }
0x1c: {  	p1 =	slt.u32 s9, $0xF7A;
	s5 =	simm.s32 @!p2 $0x0  }
0x1d: {  	s5 =	simm.s32 @p1 $0x1;
	p0 =	seq.s32 s7, s2  }
0x1e: {  	s7 =	smul.u32 @!p0 $0xF7A, s2;
	p2 =	seq.s32 @!p0 s5, $0x0  }
0x1f: {  	s9 =	smul.u32 $0xF7A, s1;
	s8 =	simm.s32 @!p0 $0x1BF5;
	p2 =	por !p2, p0  }
0x20: {  	[sflag:s8] =	ssyncset.s32 @!p0 $0xFFFFF086;
	s6 =	sadd.s32 @!p0 s3, s7;
	s7 =	simm.s32 @!p0 $0x108  }
0x21: {  	s3 =	sadd.s32 s3, s9;
	s6 =	sadd.s32 @!p0 $0x88, s6;
	s7 =	simm.s32 @p2 $0x1082  }
0x22: {  	[simem:s7], [sflag:s8] =	dma.local @!p0 [hbm:s6], $0xF7A  }
0x23: {  	s9 =	sor.u32 $0xD0000000, s2;
	s6 =	simm.s32 $0x108;
	_ =	swait.ge @!p0 [sflag:s8], $0x0  }
0x24: {  	s3 =	sadd.s32 $0x88, s3;
	s6 =	simm.s32 @!p1 $0x1082;
	[sflag:s4] =	ssyncset.s32 $0xFFFFF086  }
0x25: {  	[simem:s6], [sflag:s4] =	dma.local [hbm:s3], $0xF7A  }
0x26: {  	[smem:$0x3F8F] =	sst s1;
	(tag) =	ssettag s2;
	_ =	strace s9  }
0x27: {  	s1 =	sld [smem:$0x3F9F]  }
0x28: {  	s2 =	sld [smem:$0x3FA0]  }
0x29: {  	s4 =	sld [smem:$0x3FA2]  }
0x2a: {  	p0 =	seq.s32 s5, $0x0;
	s5 =	sld [smem:$0x3FA3]  }
0x2b: {  	s6 =	sld [smem:$0x3FA4]  }
0x2c: {  	s7 =	sld [smem:$0x3FA5]  }
0x2d: {  	s3 =	simm.s32 $0x108;
	s8 =	sld [smem:$0x3FA6]  }
0x2e: {  	s3 =	simm.s32 @!p0 $0x1082;
	s9 =	sld [smem:$0x3FA7]  }
0x2f: {  	lr =	sadd.s32 s0, s3;
	s0 =	sld [smem:$0x3F9E]  }
0x30: {  	s3 =	sld [smem:$0x3FA1]  }
0x31: {  	[smem:$0x3FAA] =	sst s10  }
0x32: {  	s10 =	sld [smem:$0x3FA8];
	_ =	sdelay $0x3  }
0x33: {  	p0 =	seq.s32 s10, $0x1;
	s10 =	sld [smem:$0x3FAA];
	_ =	sdelay $0x3  }
0x34: {  	[smem:$0x3FAA] =	sst s10  }
0x35: {  	s10 =	sld [smem:$0x3FA9];
	_ =	sdelay $0x3  }
0x36: {  	p1 =	seq.s32 s10, $0x1;
	s10 =	sld [smem:$0x3FAA];
	_ =	sdelay $0x3  }
0x37: {  	[smem:$0x3FAA] =	sst s10  }
0x38: {  	s10 =	sld [smem:$0x3FAB]  }
0x39: {  	_ = 	snop;
	(pc) =	sbr.ind lr, $3  }
0x3a: {  	_ = 	snop  }
0x3b: {  	_ = 	snop  }
0x3c: {  	p2 =	seq.s32 s10, $0x1;
	s10 =	sld [smem:$0x3FAA]  }
0x3d: {  	_ =	shalt  }
0x3e: {  	_ =	shalt  }
0x3f: {  	_ =	shalt  }
0x40: {  	_ =	shalt  }
0x41: {  	_ =	shalt  }
0x42: {  	_ =	shalt  }
0x43: {  	_ =	shalt  }
0x44: {  	_ =	shalt  }
0x45: {  	_ =	shalt  }
0x46: {  	_ =	shalt  }
0x47: {  	_ =	shalt  }
0x48: {  	_ =	shalt  }
0x49: {  	_ =	shalt  }
0x4a: {  	_ =	shalt  }
0x4b: {  	_ =	shalt  }
0x4c: {  	_ =	shalt  }
0x4d: {  	_ =	shalt  }
0x4e: {  	_ =	shalt  }
0x4f: {  	_ =	shalt  }
0x50: {  	_ =	shalt  }
0x51: {  	_ =	shalt  }
0x52: {  	_ =	shalt  }
0x53: {  	_ =	shalt  }
0x54: {  	_ =	shalt  }
0x55: {  	_ =	shalt  }
0x56: {  	_ =	shalt  }
0x57: {  	_ =	shalt  }
0x58: {  	_ =	shalt  }
0x59: {  	_ =	shalt  }
0x5a: {  	_ =	shalt  }
0x5b: {  	_ =	shalt  }
0x5c: {  	_ =	shalt  }
0x5d: {  	_ =	shalt  }
0x5e: {  	_ =	shalt  }
0x5f: {  	_ =	shalt  }
0x60: {  	_ =	shalt  }
0x61: {  	_ =	shalt  }
0x62: {  	_ =	shalt  }
0x63: {  	_ =	shalt  }
0x64: {  	_ =	shalt  }
0x65: {  	_ =	shalt  }
0x66: {  	_ =	shalt  }
0x67: {  	_ =	shalt  }
0x68: {  	_ =	shalt  }
0x69: {  	_ =	shalt  }
0x6a: {  	_ =	shalt  }
0x6b: {  	_ =	shalt  }
0x6c: {  	_ =	shalt  }
0x6d: {  	_ =	shalt  }
0x6e: {  	_ =	shalt  }
0x6f: {  	_ =	shalt  }
0x70: {  	_ =	shalt  }
0x71: {  	_ =	shalt  }
0x72: {  	_ =	shalt  }
0x73: {  	_ =	shalt  }
0x74: {  	_ =	shalt  }
0x75: {  	_ =	shalt  }
0x76: {  	_ =	shalt  }
0x77: {  	_ =	shalt  }
0x78: {  	_ =	shalt  }
0x79: {  	_ =	shalt  }
0x7a: {  	_ =	shalt  }
0x7b: {  	_ =	shalt  }
0x7c: {  	_ =	shalt  }
0x7d: {  	_ =	shalt  }
0x7e: {  	_ =	shalt  }
0x7f: {  	_ =	shalt  }
0x80: {  	_ =	shalt  }
0x81: {  	_ =	shalt  }
0x82: {  	_ =	shalt  }
0x83: {  	_ =	shalt  }
0x84: {  	_ =	shalt  }
0x85: {  	_ =	shalt  }
0x86: {  	_ =	shalt  }
0x87: {  	_ =	shalt  }
.Lfunc_end0:
.L_simem_size_0:
called_computation.1_lowered:
.L_overlay_start_0:
0x88: {  	s2 =	sld [smem:$0x3FD9]  }
0x89: {  	s3 =	sld [smem:$0x3FFE];
	_ =	sdelay $0x1  }
0x8a: {  	s1 =	srdreg.scid  }
0x8b: {  	s0 =	sand.u32 $0x1, s1  }
0x8c: {  	s17 =	sshll.u32 s0, $0xA;
	s2 =	sadd.s32 s3, s2  }
0x8d: {  	s2 =	sadd.s32 s2, s17  }
0x8e: {  	[smem:$0x3FB6] =	sst s2  }
0x8f: {  	_ = 	snop  }
0x90: {  	s2 =	sld [smem:$0x3FD0];
	(tm) =	ssettm $0x1  }
0x91: {  	s18 =	sld [smem:$0x3FFB];
	_ =	sdelay $0x3  }
0x92: {  	_ =	strace s18  }
0x93: {  	s3 =	sld [smem:$0x3FFC];
	_ =	sdelay $0x3  }
0x94: {  	_ =	strace s3  }
0x95: {  	s3 =	sld [smem:$0x3FFD];
	_ =	sdelay $0x3  }
0x96: {  	_ =	strace s3  }
0x97: {  	_ =	strace $0x8FFFFFFF  }
0x98: {  	s19 =	sld [smem:$0x3FDB];
	_ =	sdelay $0x1  }
0x99: {  	s4 =	simm.s32 $_scs_section_size  }
0x9a: {  	s5 =	simm.s32 $_size__tile_overlayer_lowered;
	s6 =	simm.s32 $_tile_overlayer_lowered  }
0x9b: {  	s22 =	simm.s32 $0x1BFF;
	s21 =	sshll.u32 s6, $0x1;
	s3 =	sadd.s32 s4, s19  }
0x9c: {  	s7 =	simm.s32 $0x0;
	s20 =	sshll.u32 s5, $0x1;
	s5 =	sadd.s32 s21, s3  }
0x9d: {  	[timem:s7], [sflag:s22] =	dma.local [hbm:s5], s20  }
0x9e: {  	_ =	swait.ge [sflag:s22], s20  }
0x9f: {  	s4 =	ssub.s32 $0x0, s20;
	[sflag:s22] =	ssyncset.done $0x0  }
0xa0: {  	[sflag:s22] =	ssyncadd.s32 s4;
	_ =	sdelay $0x1  }
0xa1: {  	s23 =	simm.s32 $0x1B8B  }
0xa2: {  	_ =	swait.ge [sflag:s23], $0x1  }
0xa3: {  	[sflag:s23] =	ssyncset.done $0x0  }
0xa4: {  	s25 =	simm.s32 $0x1B8E;
	s24 =	sld [smem:$0x3FFE];
	[sflag:s23] =	ssyncadd.s32 $0xFFFFFFFF  }
0xa5: {  	s26 =	simm.s32 $execute0_lowered;
	[smem:$0x3FD2] =	sst s25  }
0xa6: {  	s5 =	sshll.u32 s26, $0x1;
	_ =	strace $0x80000049;
	[dreg:$0x1] =	wrdreg $0xFFFFFFFF  }
0xa7: {  	s28 =	simm.s32 $_size_execute0_lowered;
	s3 =	sadd.s32 s3, s5;
	[dreg:$0x0] =	wrdreg $0x0  }
0xa8: {  	s5 =	sshll.u32 s28, $0x1;
	[dreg:$0x2] =	wrdreg s3  }
0xa9: {  	[dreg:$0x3] =	wrdreg s5  }
0xaa: {  	[dreg:$0x4] =	wrdreg $0xC0  }
0xab: {  	_ =	task [dreg:s7], $0x5FFFF  }
0xac: {  	[dreg:$0x1] =	wrdreg $0xFFFFFFFF  }
0xad: {  	[dreg:$0x0] =	wrdreg $0x60  }
0xae: {  	[dreg:$0x2] =	wrdreg s24  }
0xaf: {  	[dreg:$0x3] =	wrdreg s2  }
0xb0: {  	[dreg:$0x4] =	wrdreg $0x0  }
0xb1: {  	[dreg:$0x5] =	wrdreg $0x9  }
0xb2: {  	_ =	task.clear_ibuf [dreg:s7], $0x6FFFF;
	_ =	strace $0x90000049  }
0xb3: {  	s29 =	simm.s32 $0x9;
	_ =	strace $0x8000004B  }
0xb4: {  	_ =	swait.ge [sflag:s29], $0x1  }
0xb5: {  	[sflag:s29] =	ssyncadd.s32 $0xFFFFFFFF  }
0xb6: {  	_ =	strace $0x9000004B  }
0xb7: {  	_ =	sfence  }
0xb8: {  	s30 =	sld [smem:$0x0];
	_ =	sdelay $0x2  }
0xb9: {  	s31 =	sshll.u32 s1, $0xD;
	s1 =	sshrl.u32 s1, $0x2  }
0xba: {  	s3 =	sand.u32 $0x4000, s31;
	s1 =	sadd.s32 s1, s30  }
0xbb: {  	s0 =	sor.u32 s3, s0;
	s1 =	sshll.u32 s1, $0x11  }
0xbc: {  	s0 =	sor.u32 s1, s0  }
0xbd: {  	s0 =	sadd.s32 $0x8F2B, s0  }
0xbe: {  	[sflag:s0] =	ssyncadd.remote.s32 $0x1  }
0xbf: {  	_ =	sfence.sel $0xFFFF  }
0xc0: {  	[dreg:$0x0] =	wrdreg $0xFFFFFFFF;
	(pc) =	sbr.abs _section_cstart, $3  }
0xc1: {  	[dreg:$0x1] =	wrdreg $0xFFFFFFFF  }
0xc2: {  	_ =	task.clear_ibuf [dreg:s7], $0x2FFFF;
	_ =	strace $0x9FFFFFFF  }
0xc3: {  	(tm) =	ssettm $0x7FFFFFFF  }
tec
execute0_lowered:
.L_overlay_start_1:
0x0: {  	(tag) =	ssettag $0x1  }
0x1: {  	s0 =	rddreg [dreg:$0x0]  }
0x2: {  	s3 =	rddreg [dreg:$0x1]  }
0x3: {  	s1 =	rddreg [dreg:$0x2];
	s2 =	simm.s32 $0x0  }
0x4: {  	s4 =	srdreg.scid;
	s17 =	stileid.u32;
	s19 =	simm.s32 $0x138C0  }
0x5: {  	s23 =	simm.s32 $0x3;
	[smem:$0x7FF] =	sst s2;
	s6 =	sand.u32 $0x1, s4  }
0x6: {  	s4 =	sadd.s32 $0xCE00, s0;
	s13 =	sadd.s32 $0x3000, s0;
	s8 =	smul.u32 $0x4E000, s17  }
0x7: {  	s25 =	smul.u32 $0x14, s17;
	s28 =	sshll.u32 s17, $0x6;
	s18 =	sadd.s32 $0x138000, s1  }
0x8: {  	_ =	strace $0x8000004A;
	s5 =	smul.u32 $0x27100, s6;
	s7 =	ssub.s32 $0x2, s6  }
0x9: {  	p0 =	seq.s32 s6, $0x0;
	s6 =	simm.s32 $0x8A;
	s9 =	sshrl.u32 s7, $0x1  }
0xa: {  	s8 =	sshrl.u32 s8, $0x2;
	s6 =	simm.s32 @!p0 $0x14;
	s10 =	sadd.s32 $0x8A0, s25  }
0xb: {  	s14 =	sadd.s32 s5, s0;
	s5 =	smul.u32 $0x2700, s17;
	s15 =	ssub.s32 s7, s9  }
0xc: {  	s9 =	smul.u32 $0x8A, s17;
	s16 =	sadd.s32 s8, s1;
	s30 =	sadd.s32 $0xFFFFFFFE, s6  }
0xd: {  	s8 =	sor.u32 $0x1C05, s28;
	s31 =	sadd.s32 $0xFFFFFFFD, s6;
	[dreg:$0x4] =	wrdreg s30  }
0xe: {  	[dreg:$0x5] =	wrdreg s31;
	s14 =	sadd.s32 $0x34000, s14;
	s15 =	smax.u32 s15, $0x1  }
0xf: {  	s16 =	sshrl.u32 s16, $0x3;
	s26 =	sadd.s32 s4, s5;
	s10 =	smov.u32 @p0 s9  }
0x10: {  	s9 =	sadd.s32 $0x33E00, s0;
	p0 =	sne.s32 s17, $0xF;
	s17 =	simm.s32 $0x5  }
0x11: {  	[dreg:$0x6] =	wrdreg s26;
	s11 =	sshll.u32 s10, $0x4;
	s18 =	sshrl.u32 @!p0 s18, $0x3  }
0x12: {  	s26 =	simm.s32 $0x0;
	s10 =	sadd.s32 s3, s11;
	s29 =	sor.u32 $0x10, s11  }
0x13: {  	s11 =	sadd.s32 s13, s11;
	s12 =	sadd.s32 s3, s29;
	s13 =	sadd.s32 s13, s29  }
.LBB2_1:
0x14: {  	s0 =	rddreg [dreg:$0x6]  }
0x15: {  	[spmem:s16], [sflag:s8] =	dma.local [hbm:s0], $0x2700  }
0x16: {  	_ =	swait.ge [sflag:s17], $0x2700  }
0x17: {  	[sflag:s17] =	ssyncset.done $0x0  }
0x18: {  	s0 =	simm.s32 @!p0 $0x5;
	[sflag:s17] =	ssyncadd.s32 $0xFFFFD900  }
0x19: {  	[spmem:s18], [sflag:s8] =	dma.local @!p0 [hbm:s9], $0x100  }
0x1a: {  	_ =	swait.ge @!p0 [sflag:s0], $0x100  }
0x1b: {  	[sflag:s0] =	ssyncset.done @!p0 $0x0  }
0x1c: {  	[sflag:s0] =	ssyncadd.s32 @!p0 $0xFFFFFF00  }
0x1d: {  	[bflag:$0x0] =	sbarrier.arrive $0xFFFF  }
0x1e: {  	[tilespmem:s19], [sflag:$0x3] =	stream.linear.gather [hbm4b:s10+s2], $0x80, $0x38;
	[tilespmem:$0x1BAC0] =	vst v63  }
0x1f: {  	s7 =	simm.s32 $0x139C0  }
0x20: {  	[tilespmem:s7], [sflag:$0x3] =	stream.linear.gather [hbm4b:s11+s2], $0x80, $0x38;
	[tilespmem:$0x1BAC0] =	vst v63  }
0x21: {  	s20 =	simm.s32 $0x13940  }
0x22: {  	[tilespmem:s20], [sflag:$0x4] =	stream.linear.gather [hbm4b:s12+s2], $0x80, $0x38;
	[tilespmem:$0x1BAC0] =	vst v63  }
0x23: {  	s21 =	simm.s32 $0x13A40  }
0x24: {  	[tilespmem:s21], [sflag:$0x4] =	stream.linear.gather [hbm4b:s13+s2], $0x80, $0x38;
	[tilespmem:$0x1BAC0] =	vst v63  }
0x25: {  	_ =	swait.ge [sflag:s23], $0x80  }
0x26: {  	[sflag:s23] =	ssyncset.done $0x0  }
0x27: {  	[sflag:s23] =	ssyncadd.s32 $0xFFFFFF80  }
0x28: {  	p1 =	sle.u32 s6, $0x1;
	_ =	swait.ge [sflag:s23], $0x80  }
0x29: {  	s22 =	simm.s32 $0x80;
	p1 =	por p1, p1;
	[sflag:s23] =	ssyncset.done $0x0  }
0x2a: {  	s3 =	simm.s32 $0x13AC0;
	s0 =	simm.s32 @!p1 $0x4;
	[sflag:s23] =	ssyncadd.s32 $0xFFFFFF80  }
0x2b: {  	[tilespmem:s3], [sflag:$0x1] =	stream.indirect.gather [hbm4b:s4+s22], $0x80, s19, s22, $0xb8;
	[tilespmem:$0x1BAC0] =	vst v63  }
0x2c: {  	_ =	swait.ge @!p1 [sflag:s0], $0x80  }
0x2d: {  	[sflag:s0] =	ssyncset.done @!p1 $0x0  }
0x2e: {  	[sflag:s0] =	ssyncadd.s32 @!p1 $0xFFFFFF80  }
0x2f: {  	p3 =	sle.u32 s6, $0x0;
	_ =	swait.ge @!p1 [sflag:s0], $0x80  }
0x30: {  	s20 =	simm.s32 @!p1 $0x17AC0;
	s21 =	simm.s32 @!p3 $0x1;
	[sflag:s0] =	ssyncset.done @!p1 $0x0  }
0x31: {  	s3 =	simm.s32 @!p1 $0x13940;
	[sflag:s0] =	ssyncadd.s32 @!p1 $0xFFFFFF80;
	s0 =	simm.s32 @!p1 $0x80  }
0x32: {  	[tilespmem:s20], [sflag:$0x2] =	stream.indirect.gather @!p1 [hbm4b:s4+s0], $0x80, s3, s0, $0xb8;
	[tilespmem:$0x1BAC0] =	vst v63  }
0x33: {  	_ =	swait.ge @!p3 [sflag:s21], $0x4000  }
0x34: {  	s28 =	simm.s32 @!p3 $0x139C0;
	s22 =	simm.s32 @!p3 $0x5;
	[sflag:s21] =	ssyncset.done @!p3 $0x0  }
0x35: {  	s3 =	simm.s32 @!p3 $0x13AC0;
	[sflag:s21] =	ssyncadd.s32 @!p3 $0xFFFFC000;
	s21 =	simm.s32 @!p3 $0x80  }
0x36: {  	[spmem:s1] =	stream.indirect.scatter.add.f32 @!p3 [tilespmem:s3], [sflag:$0x5], $0x80, s28, s21, $0xb8;
	[tilespmem:$0x1BAC0] =	vst v63  }
0x37: {  	_ =	swait.ge @!p3 [sflag:s22], $0x4000  }
0x38: {  	s24 =	rddreg [dreg:$0x4]  }
0x39: {  	[sflag:s22] =	ssyncset.done @!p3 $0x0;
	p2 =	sle.u32 s24, $0x0  }
0x3a: {  	[sflag:s22] =	ssyncadd.s32 @!p3 $0xFFFFC000;
	s3 =	sadd.s32 @!p2 $0x0, s10;
	s21 =	simm.s32 @!p2 $0x0  }
0x3b: {  	s22 =	simm.s32 @!p2 $0x138C0;
	s28 =	sadd.s32 @!p2 $0x0, s11;
	s3 =	sadd.s32 @!p2 $0x20, s3  }
0x3c: {  	[tilespmem:s22], [sflag:$0x3] =	stream.linear.gather @!p2 [hbm4b:s3+s21], $0x80, $0x38;
	[tilespmem:$0x1BAC0] =	vst v63  }
0x3d: {  	s29 =	simm.s32 @!p2 $0x3;
	s3 =	sadd.s32 @!p2 $0x20, s28;
	s28 =	simm.s32 @!p2 $0x139C0  }
0x3e: {  	[tilespmem:s28], [sflag:$0x3] =	stream.linear.gather @!p2 [hbm4b:s3+s21], $0x80, $0x38;
	[tilespmem:$0x1BAC0] =	vst v63  }
0x3f: {  	_ =	swait.ge @!p2 [sflag:s29], $0x80  }
0x40: {  	[sflag:s29] =	ssyncset.done @!p2 $0x0  }
0x41: {  	[sflag:s29] =	ssyncadd.s32 @!p2 $0xFFFFFF80  }
0x42: {  	_ =	swait.ge @!p2 [sflag:s29], $0x80  }
0x43: {  	s3 =	simm.s32 @!p2 $0x80;
	[sflag:s29] =	ssyncset.done @!p2 $0x0  }
0x44: {  	s21 =	simm.s32 @!p2 $0x13AC0;
	s28 =	simm.s32 @!p1 $0x2;
	[sflag:s29] =	ssyncadd.s32 @!p2 $0xFFFFFF80  }
0x45: {  	[tilespmem:s21], [sflag:$0x1] =	stream.indirect.gather @!p2 [hbm4b:s4+s3], $0x80, s22, s3, $0xb8;
	[tilespmem:$0x1BAC0] =	vst v63  }
0x46: {  	_ =	swait.ge @!p1 [sflag:s28], $0x4000  }
0x47: {  	[sflag:s28] =	ssyncset.done @!p1 $0x0  }
0x48: {  	s3 =	simm.s32 @!p1 $0x13A40;
	s21 =	simm.s32 @!p1 $0x5;
	[sflag:s28] =	ssyncadd.s32 @!p1 $0xFFFFC000  }
0x49: {  	[spmem:s1] =	stream.indirect.scatter.add.f32 @!p1 [tilespmem:s20], [sflag:$0x5], $0x80, s3, s0, $0xb8;
	[tilespmem:$0x1BAC0] =	vst v63  }
0x4a: {  	s31 =	simm.s32 $0x40;
	s30 =	simm.s32 $0x2;
	_ =	swait.ge @!p1 [sflag:s21], $0x4000  }
0x4b: {  	p4 =	sle.u32 s6, $0x3;
	s29 =	simm.s32 $0x2;
	s25 =	rddreg [dreg:$0x5]  }
0x4c: {  	s28 =	simm.s32 $0x20;
	[sflag:s21] =	ssyncset.done @!p1 $0x0;
	p3 =	sle.u32 s25, $0x0  }
0x4d: {  	[sflag:s21] =	ssyncadd.s32 @!p1 $0xFFFFC000;
	s0 =	sadd.s32 @!p3 $0x0, s10;
	s3 =	simm.s32 @!p3 $0x0  }
0x4e: {  	s22 =	simm.s32 @!p3 $0x13940;
	s20 =	sadd.s32 @!p3 $0x0, s11;
	s21 =	sadd.s32 @!p3 $0x30, s0  }
.LBB2_2:
0x4f: {  	[tilespmem:s22], [sflag:$0x4] =	stream.linear.gather @!p3 [hbm4b:s21+s3], $0x80, $0x38;
	[tilespmem:$0x1BAC0] =	vst v63  }
0x50: {  	p1 =	por p4, p4  }
0x51: {  	s20 =	sadd.s32 @!p3 $0x30, s20;
	s22 =	simm.s32 @!p3 $0x13A40;
	s21 =	simm.s32 @!p1 $0x4  }
0x52: {  	[tilespmem:s22], [sflag:$0x4] =	stream.linear.gather @!p3 [hbm4b:s20+s3], $0x80, $0x38;
	[tilespmem:$0x1BAC0] =	vst v63  }
0x53: {  	_ =	swait.ge @!p1 [sflag:s21], $0x80  }
0x54: {  	[sflag:s21] =	ssyncset.done @!p1 $0x0  }
0x55: {  	[sflag:s21] =	ssyncadd.s32 @!p1 $0xFFFFFF80  }
0x56: {  	p4 =	sge.u32 s30, s6;
	_ =	swait.ge @!p1 [sflag:s21], $0x80  }
0x57: {  	s22 =	simm.s32 @!p1 $0x13940;
	s3 =	simm.s32 @!p1 $0x17AC0;
	[sflag:s21] =	ssyncset.done @!p1 $0x0  }
0x58: {  	s20 =	simm.s32 @!p1 $0x80;
	[sflag:s21] =	ssyncadd.s32 @!p1 $0xFFFFFF80;
	s21 =	simm.s32 @!p4 $0x1  }
0x59: {  	[tilespmem:s3], [sflag:$0x2] =	stream.indirect.gather @!p1 [hbm4b:s4+s20], $0x80, s22, s20, $0xb8;
	[tilespmem:$0x1BAC0] =	vst v63  }
0x5a: {  	_ =	swait.ge @!p4 [sflag:s21], $0x4000  }
0x5b: {  	s24 =	simm.s32 @!p4 $0x5;
	s25 =	simm.s32 @!p4 $0x139C0;
	[sflag:s21] =	ssyncset.done @!p4 $0x0  }
0x5c: {  	s22 =	simm.s32 @!p4 $0x13AC0;
	[sflag:s21] =	ssyncadd.s32 @!p4 $0xFFFFC000;
	s21 =	simm.s32 @!p4 $0x80  }
0x5d: {  	[spmem:s1] =	stream.indirect.scatter.add.f32 @!p4 [tilespmem:s22], [sflag:$0x5], $0x80, s25, s21, $0xb8;
	[tilespmem:$0x1BAC0] =	vst v63  }
0x5e: {  	_ =	swait.ge @!p4 [sflag:s24], $0x4000  }
0x5f: {  	s22 =	rddreg [dreg:$0x4]  }
0x60: {  	s0 =	smov.u32 s28;
	[sflag:s24] =	ssyncset.done @!p4 $0x0;
	p3 =	sge.u32 s30, s22  }
0x61: {  	[sflag:s24] =	ssyncadd.s32 @!p4 $0xFFFFC000;
	s21 =	sadd.s32 @!p3 s0, s10;
	s22 =	simm.s32 @!p3 $0x0  }
0x62: {  	s24 =	simm.s32 @!p3 $0x138C0;
	s25 =	sadd.s32 @!p3 s0, s11;
	s21 =	sadd.s32 @!p3 $0x20, s21  }
0x63: {  	[tilespmem:s24], [sflag:$0x3] =	stream.linear.gather @!p3 [hbm4b:s21+s22], $0x80, $0x38;
	[tilespmem:$0x1BAC0] =	vst v63  }
0x64: {  	s7 =	simm.s32 @!p3 $0x3;
	s21 =	sadd.s32 @!p3 $0x20, s25;
	s25 =	simm.s32 @!p3 $0x139C0  }
0x65: {  	[tilespmem:s25], [sflag:$0x3] =	stream.linear.gather @!p3 [hbm4b:s21+s22], $0x80, $0x38;
	[tilespmem:$0x1BAC0] =	vst v63  }
0x66: {  	_ =	swait.ge @!p3 [sflag:s7], $0x80  }
0x67: {  	[sflag:s7] =	ssyncset.done @!p3 $0x0  }
0x68: {  	[sflag:s7] =	ssyncadd.s32 @!p3 $0xFFFFFF80  }
0x69: {  	_ =	swait.ge @!p3 [sflag:s7], $0x80  }
0x6a: {  	s21 =	simm.s32 @!p3 $0x80;
	[sflag:s7] =	ssyncset.done @!p3 $0x0  }
0x6b: {  	s22 =	simm.s32 @!p3 $0x13AC0;
	[sflag:s7] =	ssyncadd.s32 @!p3 $0xFFFFFF80;
	s7 =	simm.s32 @!p1 $0x2  }
0x6c: {  	[tilespmem:s22], [sflag:$0x1] =	stream.indirect.gather @!p3 [hbm4b:s4+s21], $0x80, s24, s21, $0xb8;
	[tilespmem:$0x1BAC0] =	vst v63  }
0x6d: {  	s28 =	smov.u32 s31;
	s31 =	sadd.s32 $0x20, s31;
	_ =	swait.ge @!p1 [sflag:s7], $0x4000  }
0x6e: {  	p2 =	sne.s32 s31, $0x8A0;
	s30 =	sadd.s32 $0x2, s30;
	[sflag:s7] =	ssyncset.done @!p1 $0x0  }
0x6f: {  	s21 =	simm.s32 @!p1 $0x5;
	[sflag:s7] =	ssyncadd.s32 @!p1 $0xFFFFC000;
	s7 =	simm.s32 @!p1 $0x13A40  }
0x70: {  	[spmem:s1] =	stream.indirect.scatter.add.f32 @!p1 [tilespmem:s3], [sflag:$0x5], $0x80, s7, s20, $0xb8;
	[tilespmem:$0x1BAC0] =	vst v63  }
.Ltmp0:
0x71: {  	s25 =	sadd.s32 $0x1, s30;
	_ =	swait.ge @!p1 [sflag:s21], $0x4000;
	(pc) =	sbr.rel @p2 .LBB2_2-.Ltmp0, $4  }
0x72: {  	p4 =	sge.u32 s25, s6;
	s24 =	rddreg [dreg:$0x5]  }
0x73: {  	[sflag:s21] =	ssyncset.done @!p1 $0x0;
	p3 =	sge.u32 s29, s24;
	s29 =	smov.u32 s30  }
0x74: {  	[sflag:s21] =	ssyncadd.s32 @!p1 $0xFFFFC000;
	s7 =	sadd.s32 @!p3 s0, s10;
	s3 =	simm.s32 @!p3 $0x0  }
0x75: {  	s22 =	simm.s32 @!p3 $0x13940;
	s20 =	sadd.s32 @!p3 s0, s11;
	s21 =	sadd.s32 @!p3 $0x30, s7  }
0x76: {  	[tilespmem:s22], [sflag:$0x4] =	stream.linear.gather @!p3 [hbm4b:s21+s3], $0x80, $0x38;
	[tilespmem:$0x1BAC0] =	vst v63  }
0x77: {  	p1 =	por p4, p4  }
0x78: {  	s7 =	sadd.s32 @!p3 $0x30, s20;
	s20 =	simm.s32 @!p3 $0x13A40;
	s0 =	simm.s32 @!p1 $0x4  }
0x79: {  	[tilespmem:s20], [sflag:$0x4] =	stream.linear.gather @!p3 [hbm4b:s7+s3], $0x80, $0x38;
	[tilespmem:$0x1BAC0] =	vst v63  }
0x7a: {  	_ =	swait.ge @!p1 [sflag:s0], $0x80  }
0x7b: {  	[sflag:s0] =	ssyncset.done @!p1 $0x0  }
0x7c: {  	[sflag:s0] =	ssyncadd.s32 @!p1 $0xFFFFFF80  }
0x7d: {  	s3 =	simm.s32 @!p1 $0x13940;
	_ =	swait.ge @!p1 [sflag:s0], $0x80  }
0x7e: {  	s7 =	simm.s32 @!p1 $0x17AC0;
	p3 =	sge.u32 s30, s6;
	[sflag:s0] =	ssyncset.done @!p1 $0x0  }
0x7f: {  	s20 =	simm.s32 @!p3 $0x1;
	[sflag:s0] =	ssyncadd.s32 @!p1 $0xFFFFFF80;
	s0 =	simm.s32 @!p1 $0x80  }
0x80: {  	[tilespmem:s7], [sflag:$0x2] =	stream.indirect.gather @!p1 [hbm4b:s4+s0], $0x80, s3, s0, $0xb8;
	[tilespmem:$0x1BAC0] =	vst v63  }
0x81: {  	_ =	swait.ge @!p3 [sflag:s20], $0x4000  }
0x82: {  	s21 =	simm.s32 @!p3 $0x5;
	s22 =	simm.s32 @!p3 $0x139C0;
	[sflag:s20] =	ssyncset.done @!p3 $0x0  }
0x83: {  	s3 =	simm.s32 @!p3 $0x13AC0;
	[sflag:s20] =	ssyncadd.s32 @!p3 $0xFFFFC000;
	s20 =	simm.s32 @!p3 $0x80  }
0x84: {  	[spmem:s1] =	stream.indirect.scatter.add.f32 @!p3 [tilespmem:s3], [sflag:$0x5], $0x80, s22, s20, $0xb8;
	[tilespmem:$0x1BAC0] =	vst v63  }
0x85: {  	_ =	swait.ge @!p3 [sflag:s21], $0x4000  }
0x86: {  	s25 =	rddreg [dreg:$0x4]  }
0x87: {  	[sflag:s21] =	ssyncset.done @!p3 $0x0;
	p2 =	sge.u32 s30, s25  }
0x88: {  	[sflag:s21] =	ssyncadd.s32 @!p3 $0xFFFFC000;
	s3 =	sadd.s32 @!p2 s28, s10;
	s20 =	simm.s32 @!p2 $0x0  }
0x89: {  	s21 =	simm.s32 @!p2 $0x138C0;
	s22 =	sadd.s32 @!p2 s28, s11;
	s3 =	sadd.s32 @!p2 $0x20, s3  }
0x8a: {  	[tilespmem:s21], [sflag:$0x3] =	stream.linear.gather @!p2 [hbm4b:s3+s20], $0x80, $0x38;
	[tilespmem:$0x1BAC0] =	vst v63  }
0x8b: {  	s24 =	simm.s32 @!p2 $0x3;
	s3 =	sadd.s32 @!p2 $0x20, s22;
	s22 =	simm.s32 @!p2 $0x139C0  }
0x8c: {  	[tilespmem:s22], [sflag:$0x3] =	stream.linear.gather @!p2 [hbm4b:s3+s20], $0x80, $0x38;
	[tilespmem:$0x1BAC0] =	vst v63  }
0x8d: {  	_ =	swait.ge @!p2 [sflag:s24], $0x80  }
0x8e: {  	[sflag:s24] =	ssyncset.done @!p2 $0x0  }
0x8f: {  	[sflag:s24] =	ssyncadd.s32 @!p2 $0xFFFFFF80  }
0x90: {  	_ =	swait.ge @!p2 [sflag:s24], $0x80  }
0x91: {  	s3 =	simm.s32 @!p2 $0x80;
	[sflag:s24] =	ssyncset.done @!p2 $0x0  }
0x92: {  	s20 =	simm.s32 @!p2 $0x13AC0;
	s22 =	simm.s32 @!p1 $0x2;
	[sflag:s24] =	ssyncadd.s32 @!p2 $0xFFFFFF80  }
0x93: {  	[tilespmem:s20], [sflag:$0x1] =	stream.indirect.gather @!p2 [hbm4b:s4+s3], $0x80, s21, s3, $0xb8;
	[tilespmem:$0x1BAC0] =	vst v63  }
0x94: {  	_ =	swait.ge @!p1 [sflag:s22], $0x4000  }
0x95: {  	[sflag:s22] =	ssyncset.done @!p1 $0x0  }
0x96: {  	s3 =	simm.s32 @!p1 $0x13A40;
	s20 =	simm.s32 @!p1 $0x5;
	[sflag:s22] =	ssyncadd.s32 @!p1 $0xFFFFC000  }
0x97: {  	[spmem:s1] =	stream.indirect.scatter.add.f32 @!p1 [tilespmem:s7], [sflag:$0x5], $0x80, s3, s0, $0xb8;
	[tilespmem:$0x1BAC0] =	vst v63  }
0x98: {  	_ =	swait.ge @!p1 [sflag:s20], $0x4000  }
0x99: {  	s30 =	rddreg [dreg:$0x5]  }
0x9a: {  	[sflag:s20] =	ssyncset.done @!p1 $0x0;
	p2 =	sge.u32 s29, s30  }
0x9b: {  	[sflag:s20] =	ssyncadd.s32 @!p1 $0xFFFFC000;
	s0 =	sadd.s32 @!p2 s28, s10;
	s3 =	simm.s32 @!p2 $0x0  }
0x9c: {  	s7 =	simm.s32 @!p2 $0x13940;
	s20 =	sadd.s32 @!p2 s28, s11;
	s0 =	sadd.s32 @!p2 $0x30, s0  }
0x9d: {  	[tilespmem:s7], [sflag:$0x4] =	stream.linear.gather @!p2 [hbm4b:s0+s3], $0x80, $0x38;
	[tilespmem:$0x1BAC0] =	vst v63  }
0x9e: {  	s0 =	sadd.s32 @!p2 $0x30, s20;
	s7 =	simm.s32 @!p2 $0x13A40  }
0x9f: {  	[tilespmem:s7], [sflag:$0x4] =	stream.linear.gather @!p2 [hbm4b:s0+s3], $0x80, $0x38;
	[tilespmem:$0x1BAC0] =	vst v63  }
0xa0: {  	s31 =	sadd.s32 s5, s14;
	[bflag:$0x0] =	sbarrier.arrive $0xFFFF  }
0xa1: {  	[hbm:s31], [sflag:s8] =	dma.local [spmem:s16], $0x2700  }
0xa2: {  	_ =	swait.ge [sflag:s17], $0x2700  }
0xa3: {  	s26 =	sadd.s32 $0x1, s26;
	[sflag:s17] =	ssyncset.done $0x0  }
0xa4: {  	p1 =	sne.s32 s26, s15;
	s0 =	sadd.s32 @!p0 $0x27000, s14;
	[sflag:s17] =	ssyncadd.s32 $0xFFFFD900  }
0xa5: {  	[hbm:s0], [sflag:s8] =	dma.local @!p0 [spmem:s18], $0x100  }
.Ltmp1:
0xa6: {  	_ = 	snop;
	(pc) =	sbr.rel @p1 .LBB2_1-.Ltmp1, $4  }
0xa7: {  	s0 =	simm.s32 @!p0 $0x5  }
0xa8: {  	_ =	swait.ge @!p0 [sflag:s0], $0x100  }
0xa9: {  	[sflag:s0] =	ssyncset.done @!p0 $0x0  }
0xaa: {  	[sflag:s0] =	ssyncadd.s32 @!p0 $0xFFFFFF00  }
0xab: {  	_ =	sfence.sel $0x180000  }
0xac: {  	[bflag:$0x0] =	sbarrier.arrive $0xFFFF  }
0xad: {  	_ =	strace $0x9000004A  }
0xae: {  	s0 =	stileid.u32;
	[bflag:$0x2] =	sbarrier.arrive $0xFFFF  }
0xaf: {  	p0 =	sne.s32 s0, $0x0;
	s0 =	rddreg [dreg:$0x3]  }
0xb0: {  	s0 =	sadd.s32 @!p0 $0x100000, s0  }
0xb1: {  	[sflag:s0] =	ssyncadd.tile.s32 @!p0 $0x1;
	_ =	shalt  }
.Lfunc_end2:
_tile_overlayer_lowered:
.L_overlay_start_2:
0xb2: {  	(tag) =	ssettag $0x2  }
0xb3: {  	s0 =	rddreg [dreg:$0x0];
	s2 =	stileid.u32  }
0xb4: {  	s1 =	rddreg [dreg:$0x1];
	p0 =	sne.s32 s2, $0x0  }
0xb5: {  	s3 =	rddreg [dreg:$0x2];
	[bflag:$0x3] =	sbarrier.arrive $0xFFFF;
	s2 =	simm.s32 @!p0 $0x1C05  }
0xb6: {  	[timem:s3], [sflag:s2] =	dma.local @!p0 [hbm:s0], s1  }
0xb7: {  	s0 =	simm.s32 @!p0 $0x5  }
0xb8: {  	_ =	swait.ge @!p0 [sflag:s0], s1  }
0xb9: {  	s1 =	ssub.s32 @!p0 $0x0, s1;
	[sflag:s0] =	ssyncset.done @!p0 $0x0  }
0xba: {  	[sflag:s0] =	ssyncadd.s32 @!p0 s1  }
0xbb: {  	[bflag:$0x3] =	sbarrier.arrive $0xFFFF  }
0xbc: {  	_ =	shalt  }

</sc_bundles>
